<compile_context>
chip_gen: v7x
topology: tpu7x:2x2x1
jax: 0.10.2.dev20260603
libtpu: 0.0.44.dev20260713+nightly
codegen_flags: <defaults>
</compile_context>

<pallas_src>
import functools

import jax
import jax.numpy as jnp
from jax import lax
from jax.experimental import pallas as pl
from jax.experimental.pallas import tpu as pltpu
from jax.experimental.pallas import tpu_sc as plsc

_DIM = 2048
_N_EXPERTS = 16
_TOKENS = 16384
_BLOCK_T = 2048

_NW = 32
_TPW = _TOKENS // _NW
_CHUNKS_PER_BLOCK = _BLOCK_T // _TPW


def _matmul_block(x_ref, w_ref, b_ref, s_out_ref):
    st = jax.lax.dot_general(
        w_ref[...], x_ref[...],
        dimension_numbers=(((1,), (1,)), ((), ())),
        preferred_element_type=jnp.float32,
    ) + b_ref[...]
    for w in range(_CHUNKS_PER_BLOCK):
        s_out_ref[w] = st[:, w * _TPW:(w + 1) * _TPW]


def _tc_scores(x, W, b2):
    grid = (_TOKENS // _BLOCK_T,)
    return pl.pallas_call(
        _matmul_block,
        grid=grid,
        in_specs=[
            pl.BlockSpec((_BLOCK_T, _DIM), lambda i: (i, 0)),
            pl.BlockSpec((_N_EXPERTS, _DIM), lambda i: (0, 0)),
            pl.BlockSpec((_N_EXPERTS, 1), lambda i: (0, 0)),
        ],
        out_specs=pl.BlockSpec(
            (_CHUNKS_PER_BLOCK, _N_EXPERTS, _TPW), lambda i: (i, 0, 0)),
        out_shape=jax.ShapeDtypeStruct((_NW, _N_EXPERTS, _TPW), jnp.float32),
        compiler_params=pltpu.CompilerParams(
            dimension_semantics=("arbitrary",),
        ),
    )(x, W, b2)


def _sc_route_body(s_hbm, w_out_hbm, i_out_hbm, slab_v, wv, iv):
    wid = lax.axis_index("s") * 2 + lax.axis_index("c")
    pltpu.sync_copy(s_hbm.at[wid], slab_v)

    def group(g, _):
        cols = pl.ds(g * 16, 16)
        lane = lax.iota(jnp.int32, 16)
        vs = [slab_v[e, cols] for e in range(_N_EXPERTS)]
        m = vs[0]
        for e in range(1, _N_EXPERTS):
            m = jnp.maximum(m, vs[e])
        es = [jnp.exp(v - m) for v in vs]
        z = es[0]
        for e in range(1, _N_EXPERTS):
            z = z + es[e]
        ps = [ev / z for ev in es]
        v1 = ps[0]
        for e in range(1, _N_EXPERTS):
            v1 = jnp.maximum(v1, ps[e])
        i1 = jnp.where(ps[0] == v1, 0, _N_EXPERTS)
        for e in range(1, _N_EXPERTS):
            i1 = jnp.minimum(i1, jnp.where(ps[e] == v1, e, _N_EXPERTS))
        p2s = [jnp.where(i1 == e, -1.0, ps[e]) for e in range(_N_EXPERTS)]
        v2 = p2s[0]
        for e in range(1, _N_EXPERTS):
            v2 = jnp.maximum(v2, p2s[e])
        i2 = jnp.where(p2s[0] == v2, 0, _N_EXPERTS)
        for e in range(1, _N_EXPERTS):
            i2 = jnp.minimum(i2, jnp.where(p2s[e] == v2, e, _N_EXPERTS))
        s = v1 + v2
        idx1 = lane * 2 + g * 32
        idx2 = idx1 + 1
        plsc.store_scatter(wv, [idx1], v1 / s)
        plsc.store_scatter(wv, [idx2], v2 / s)
        plsc.store_scatter(iv, [idx1], i1)
        plsc.store_scatter(iv, [idx2], i2)
        return _

    lax.fori_loop(0, _TPW // 16, group, 0)
    pltpu.sync_copy(wv, w_out_hbm.at[wid])
    pltpu.sync_copy(iv, i_out_hbm.at[wid])


def _sc_route(scores3):
    mesh = plsc.VectorSubcoreMesh(core_axis_name="c", subcore_axis_name="s")
    fn = functools.partial(
        pl.kernel,
        out_type=[
            jax.ShapeDtypeStruct((_NW, 2 * _TPW), jnp.float32),
            jax.ShapeDtypeStruct((_NW, 2 * _TPW), jnp.int32),
        ],
        mesh=mesh,
        scratch_types=[
            pltpu.VMEM((_N_EXPERTS, _TPW), jnp.float32),
            pltpu.VMEM((2 * _TPW,), jnp.float32),
            pltpu.VMEM((2 * _TPW,), jnp.int32),
        ],
        compiler_params=pltpu.CompilerParams(needs_layout_passes=False),
    )(_sc_route_body)
    return fn(scores3)


def kernel(x, W, b):
    b2 = b.reshape(_N_EXPERTS, 1)
    scores3 = _tc_scores(x, W, b2)
    w3, i3 = _sc_route(scores3)
    weights = w3.reshape(_TOKENS, 2)
    indices = i3.reshape(_TOKENS, 2)
    return (weights, indices)

# --- scband reference (transcript-rebuilt; emitter-appended) ---
"""Pipeline reference for scband-gate-37263136260194 (READ-ONLY COPY).

The authoritative reference and input builder live on the scoring server;
editing this copy changes nothing except your own understanding.
"""

import jax, jax.numpy as jnp
import numpy as np

DIM = 2048
N_EXPERTS = 16
TOPK = 2
TOKENS = 16384


def setup_inputs(seed: int = 0) -> dict:
    key = jax.random.key(seed)
    k1, k2 = jax.random.split(key, 2)
    x = jax.random.normal(k1, (TOKENS, DIM), dtype=jnp.float32)
    # nn.Linear(dim, n_experts): weight [n_experts, dim] init normal(0, 1), bias zeros
    W = jax.random.normal(k2, (N_EXPERTS, DIM), dtype=jnp.float32)
    b = jnp.zeros((N_EXPERTS,), dtype=jnp.float32)
    return {"x": x, "W": W, "b": b}


def reference(x, W, b):
    # scores = self.linear(x)
    scores = x @ W.T + b
    # scores = F.softmax(scores, dim=-1)
    scores = jax.nn.softmax(scores, axis=-1)
    # indices = torch.topk(scores, topk, dim=-1)[1]; weights = scores.gather(1, indices)
    vals, indices = jax.lax.top_k(scores, TOPK)
    weights = vals / jnp.sum(vals, axis=-1, keepdims=True)
    return (weights, indices)

if __name__ == "__main__":
    import jax
    _d = setup_inputs()
    print(jax.jit(kernel)(*tuple(_d.values())))

</pallas_src>

<mosaic_0001>
#map = affine_map<(d0, d1) -> (0, 0, 0)>
#map1 = affine_map<(d0, d1) -> (0, 0)>
module attributes {stable_mosaic.version = 14 : i64} {
  func.func @_sc_route_body(%arg0: i32, %arg1: i32, %arg2: memref<32x16x512xf32, #tpu.memory_space<hbm>>, %arg3: memref<32x1024xf32, #tpu.memory_space<hbm>>, %arg4: memref<32x1024xi32, #tpu.memory_space<hbm>>, %arg5: memref<16x512xf32, #tpu.memory_space<vmem>>, %arg6: memref<1024xf32, #tpu.memory_space<vmem>>, %arg7: memref<1024xi32, #tpu.memory_space<vmem>>) attributes {dimension_semantics = [#tpu.dimension_semantics<core_parallel>, #tpu.dimension_semantics<subcore_parallel>], iteration_bounds = array<i64: 2, 16>, scalar_prefetch = 0 : i64, scratch_operands = 3 : i64, tpu.core_type = #tpu.core_type<sc_vector_subcore>, window_params = [{transform_indices = #map}, {transform_indices = #map1}, {transform_indices = #map1}]} {
    %mul3A = arith.constant 2 : i32
    %mul3A_0 = arith.muli %arg1, %mul3A : i32
    %add3A = arith.addi %mul3A_0, %arg0 : i32
    "tpu.region"() ({
      %run_scoped3A = tpu.sem_alloc : memref<!tpu.dma_semaphore, #tpu.memory_space<semaphore_mem>>
      %dma_start3A = arith.constant 0 : i32
      %dma_start3A_6 = arith.constant 0 : i32
      %dma_start3A_7 = tpu.memref_slice %arg2[%add3A, %dma_start3A, %dma_start3A_6] : memref<32x16x512xf32, #tpu.memory_space<hbm>> -> memref<1x16x512xf32, #tpu.memory_space<hbm>>
      %dma_start3A_8 = tpu.memref_squeeze %dma_start3A_7 : memref<1x16x512xf32, #tpu.memory_space<hbm>> -> memref<16x512xf32, #tpu.memory_space<hbm>>
      %dma_start3A_9 = arith.constant 0 : i32
      %dma_start3A_10 = arith.constant 0 : i32
      %dma_start3A_11 = tpu.memref_slice %arg2[%add3A, %dma_start3A_9, %dma_start3A_10] : memref<32x16x512xf32, #tpu.memory_space<hbm>> -> memref<1x16x512xf32, #tpu.memory_space<hbm>>
      %dma_start3A_12 = tpu.memref_squeeze %dma_start3A_11 : memref<1x16x512xf32, #tpu.memory_space<hbm>> -> memref<16x512xf32, #tpu.memory_space<hbm>>
      tpu.enqueue_dma source(%dma_start3A_12 : memref<16x512xf32, #tpu.memory_space<hbm>>) target(%arg5 : memref<16x512xf32, #tpu.memory_space<vmem>>) target_semaphore(%run_scoped3A : memref<!tpu.dma_semaphore, #tpu.memory_space<semaphore_mem>>)
      %dma_wait3A = arith.constant 0 : i32
      %dma_wait3A_13 = arith.constant 0 : i32
      %dma_wait3A_14 = tpu.memref_slice %arg2[%add3A, %dma_wait3A, %dma_wait3A_13] : memref<32x16x512xf32, #tpu.memory_space<hbm>> -> memref<1x16x512xf32, #tpu.memory_space<hbm>>
      %dma_wait3A_15 = tpu.memref_squeeze %dma_wait3A_14 : memref<1x16x512xf32, #tpu.memory_space<hbm>> -> memref<16x512xf32, #tpu.memory_space<hbm>>
      %dma_wait3A_16 = arith.constant 0 : i32
      %dma_wait3A_17 = arith.constant 0 : i32
      %dma_wait3A_18 = tpu.memref_slice %arg2[%add3A, %dma_wait3A_16, %dma_wait3A_17] : memref<32x16x512xf32, #tpu.memory_space<hbm>> -> memref<1x16x512xf32, #tpu.memory_space<hbm>>
      %dma_wait3A_19 = tpu.memref_squeeze %dma_wait3A_18 : memref<1x16x512xf32, #tpu.memory_space<hbm>> -> memref<16x512xf32, #tpu.memory_space<hbm>>
      tpu.wait_dma2 semaphore(%run_scoped3A : memref<!tpu.dma_semaphore, #tpu.memory_space<semaphore_mem>>) src(%dma_wait3A_19 : memref<16x512xf32, #tpu.memory_space<hbm>>) dst(%arg5 : memref<16x512xf32, #tpu.memory_space<vmem>>)
      tpu.yield
    }) : () -> ()
    %scan3A = arith.constant 0 : i32
    %scan3A_1 = arith.constant 0 : i32
    %scan3A_2 = arith.constant 32 : i32
    %scan3A_3 = arith.addi %scan3A_1, %scan3A_2 : i32
    %scan3A_4 = arith.constant 1 : i32
    scf.for %scan3A_6 = %scan3A_1 to %scan3A_3 step %scan3A_4  : i32 {
      %mul3A_7 = arith.constant 16 : i32
      %mul3A_8 = arith.muli %scan3A_6, %mul3A_7 : i32
      %iota3A = tpu.iota {dimensions = array<i32: 0>} : vector<16xi32>
      %get3A = arith.constant 0 : i32
      %get3A_9 = arith.index_cast %get3A : i32 to index
      %get3A_10 = arith.index_cast %mul3A_8 : i32 to index
      %get3A_11 = tpu.vector_load %arg5[%get3A_9, %get3A_10] {strides = array<i32>} : memref<16x512xf32, #tpu.memory_space<vmem>>, vector<16xf32>,
      %get3A_12 = arith.constant 1 : i32
      %get3A_13 = arith.index_cast %get3A_12 : i32 to index
      %get3A_14 = arith.index_cast %mul3A_8 : i32 to index
      %get3A_15 = tpu.vector_load %arg5[%get3A_13, %get3A_14] {strides = array<i32>} : memref<16x512xf32, #tpu.memory_space<vmem>>, vector<16xf32>,
      %get3A_16 = arith.constant 2 : i32
      %get3A_17 = arith.index_cast %get3A_16 : i32 to index
      %get3A_18 = arith.index_cast %mul3A_8 : i32 to index
      %get3A_19 = tpu.vector_load %arg5[%get3A_17, %get3A_18] {strides = array<i32>} : memref<16x512xf32, #tpu.memory_space<vmem>>, vector<16xf32>,
      %get3A_20 = arith.constant 3 : i32
      %get3A_21 = arith.index_cast %get3A_20 : i32 to index
      %get3A_22 = arith.index_cast %mul3A_8 : i32 to index
      %get3A_23 = tpu.vector_load %arg5[%get3A_21, %get3A_22] {strides = array<i32>} : memref<16x512xf32, #tpu.memory_space<vmem>>, vector<16xf32>,
      %get3A_24 = arith.constant 4 : i32
      %get3A_25 = arith.index_cast %get3A_24 : i32 to index
      %get3A_26 = arith.index_cast %mul3A_8 : i32 to index
      %get3A_27 = tpu.vector_load %arg5[%get3A_25, %get3A_26] {strides = array<i32>} : memref<16x512xf32, #tpu.memory_space<vmem>>, vector<16xf32>,
      %get3A_28 = arith.constant 5 : i32
      %get3A_29 = arith.index_cast %get3A_28 : i32 to index
      %get3A_30 = arith.index_cast %mul3A_8 : i32 to index
      %get3A_31 = tpu.vector_load %arg5[%get3A_29, %get3A_30] {strides = array<i32>} : memref<16x512xf32, #tpu.memory_space<vmem>>, vector<16xf32>,
      %get3A_32 = arith.constant 6 : i32
      %get3A_33 = arith.index_cast %get3A_32 : i32 to index
      %get3A_34 = arith.index_cast %mul3A_8 : i32 to index
      %get3A_35 = tpu.vector_load %arg5[%get3A_33, %get3A_34] {strides = array<i32>} : memref<16x512xf32, #tpu.memory_space<vmem>>, vector<16xf32>,
      %get3A_36 = arith.constant 7 : i32
      %get3A_37 = arith.index_cast %get3A_36 : i32 to index
      %get3A_38 = arith.index_cast %mul3A_8 : i32 to index
      %get3A_39 = tpu.vector_load %arg5[%get3A_37, %get3A_38] {strides = array<i32>} : memref<16x512xf32, #tpu.memory_space<vmem>>, vector<16xf32>,
      %get3A_40 = arith.constant 8 : i32
      %get3A_41 = arith.index_cast %get3A_40 : i32 to index
      %get3A_42 = arith.index_cast %mul3A_8 : i32 to index
      %get3A_43 = tpu.vector_load %arg5[%get3A_41, %get3A_42] {strides = array<i32>} : memref<16x512xf32, #tpu.memory_space<vmem>>, vector<16xf32>,
      %get3A_44 = arith.constant 9 : i32
      %get3A_45 = arith.index_cast %get3A_44 : i32 to index
      %get3A_46 = arith.index_cast %mul3A_8 : i32 to index
      %get3A_47 = tpu.vector_load %arg5[%get3A_45, %get3A_46] {strides = array<i32>} : memref<16x512xf32, #tpu.memory_space<vmem>>, vector<16xf32>,
      %get3A_48 = arith.constant 10 : i32
      %get3A_49 = arith.index_cast %get3A_48 : i32 to index
      %get3A_50 = arith.index_cast %mul3A_8 : i32 to index
      %get3A_51 = tpu.vector_load %arg5[%get3A_49, %get3A_50] {strides = array<i32>} : memref<16x512xf32, #tpu.memory_space<vmem>>, vector<16xf32>,
      %get3A_52 = arith.constant 11 : i32
      %get3A_53 = arith.index_cast %get3A_52 : i32 to index
      %get3A_54 = arith.index_cast %mul3A_8 : i32 to index
      %get3A_55 = tpu.vector_load %arg5[%get3A_53, %get3A_54] {strides = array<i32>} : memref<16x512xf32, #tpu.memory_space<vmem>>, vector<16xf32>,
      %get3A_56 = arith.constant 12 : i32
      %get3A_57 = arith.index_cast %get3A_56 : i32 to index
      %get3A_58 = arith.index_cast %mul3A_8 : i32 to index
      %get3A_59 = tpu.vector_load %arg5[%get3A_57, %get3A_58] {strides = array<i32>} : memref<16x512xf32, #tpu.memory_space<vmem>>, vector<16xf32>,
      %get3A_60 = arith.constant 13 : i32
      %get3A_61 = arith.index_cast %get3A_60 : i32 to index
      %get3A_62 = arith.index_cast %mul3A_8 : i32 to index
      %get3A_63 = tpu.vector_load %arg5[%get3A_61, %get3A_62] {strides = array<i32>} : memref<16x512xf32, #tpu.memory_space<vmem>>, vector<16xf32>,
      %get3A_64 = arith.constant 14 : i32
      %get3A_65 = arith.index_cast %get3A_64 : i32 to index
      %get3A_66 = arith.index_cast %mul3A_8 : i32 to index
      %get3A_67 = tpu.vector_load %arg5[%get3A_65, %get3A_66] {strides = array<i32>} : memref<16x512xf32, #tpu.memory_space<vmem>>, vector<16xf32>,
      %get3A_68 = arith.constant 15 : i32
      %get3A_69 = arith.index_cast %get3A_68 : i32 to index
      %get3A_70 = arith.index_cast %mul3A_8 : i32 to index
      %get3A_71 = tpu.vector_load %arg5[%get3A_69, %get3A_70] {strides = array<i32>} : memref<16x512xf32, #tpu.memory_space<vmem>>, vector<16xf32>,
      %max3A = arith.maximumf %get3A_11, %get3A_15 : vector<16xf32>
      %max3A_72 = arith.maximumf %max3A, %get3A_19 : vector<16xf32>
      %max3A_73 = arith.maximumf %max3A_72, %get3A_23 : vector<16xf32>
      %max3A_74 = arith.maximumf %max3A_73, %get3A_27 : vector<16xf32>
      %max3A_75 = arith.maximumf %max3A_74, %get3A_31 : vector<16xf32>
      %max3A_76 = arith.maximumf %max3A_75, %get3A_35 : vector<16xf32>
      %max3A_77 = arith.maximumf %max3A_76, %get3A_39 : vector<16xf32>
      %max3A_78 = arith.maximumf %max3A_77, %get3A_43 : vector<16xf32>
      %max3A_79 = arith.maximumf %max3A_78, %get3A_47 : vector<16xf32>
      %max3A_80 = arith.maximumf %max3A_79, %get3A_51 : vector<16xf32>
      %max3A_81 = arith.maximumf %max3A_80, %get3A_55 : vector<16xf32>
      %max3A_82 = arith.maximumf %max3A_81, %get3A_59 : vector<16xf32>
      %max3A_83 = arith.maximumf %max3A_82, %get3A_63 : vector<16xf32>
      %max3A_84 = arith.maximumf %max3A_83, %get3A_67 : vector<16xf32>
      %max3A_85 = arith.maximumf %max3A_84, %get3A_71 : vector<16xf32>
      %sub3A = arith.subf %get3A_11, %max3A_85 : vector<16xf32>
      %exp3A = math.exp %sub3A : vector<16xf32>
      %sub3A_86 = arith.subf %get3A_15, %max3A_85 : vector<16xf32>
      %exp3A_87 = math.exp %sub3A_86 : vector<16xf32>
      %sub3A_88 = arith.subf %get3A_19, %max3A_85 : vector<16xf32>
      %exp3A_89 = math.exp %sub3A_88 : vector<16xf32>
      %sub3A_90 = arith.subf %get3A_23, %max3A_85 : vector<16xf32>
      %exp3A_91 = math.exp %sub3A_90 : vector<16xf32>
      %sub3A_92 = arith.subf %get3A_27, %max3A_85 : vector<16xf32>
      %exp3A_93 = math.exp %sub3A_92 : vector<16xf32>
      %sub3A_94 = arith.subf %get3A_31, %max3A_85 : vector<16xf32>
      %exp3A_95 = math.exp %sub3A_94 : vector<16xf32>
      %sub3A_96 = arith.subf %get3A_35, %max3A_85 : vector<16xf32>
      %exp3A_97 = math.exp %sub3A_96 : vector<16xf32>
      %sub3A_98 = arith.subf %get3A_39, %max3A_85 : vector<16xf32>
      %exp3A_99 = math.exp %sub3A_98 : vector<16xf32>
      %sub3A_100 = arith.subf %get3A_43, %max3A_85 : vector<16xf32>
      %exp3A_101 = math.exp %sub3A_100 : vector<16xf32>
      %sub3A_102 = arith.subf %get3A_47, %max3A_85 : vector<16xf32>
      %exp3A_103 = math.exp %sub3A_102 : vector<16xf32>
      %sub3A_104 = arith.subf %get3A_51, %max3A_85 : vector<16xf32>
      %exp3A_105 = math.exp %sub3A_104 : vector<16xf32>
      %sub3A_106 = arith.subf %get3A_55, %max3A_85 : vector<16xf32>
      %exp3A_107 = math.exp %sub3A_106 : vector<16xf32>
      %sub3A_108 = arith.subf %get3A_59, %max3A_85 : vector<16xf32>
      %exp3A_109 = math.exp %sub3A_108 : vector<16xf32>
      %sub3A_110 = arith.subf %get3A_63, %max3A_85 : vector<16xf32>
      %exp3A_111 = math.exp %sub3A_110 : vector<16xf32>
      %sub3A_112 = arith.subf %get3A_67, %max3A_85 : vector<16xf32>
      %exp3A_113 = math.exp %sub3A_112 : vector<16xf32>
      %sub3A_114 = arith.subf %get3A_71, %max3A_85 : vector<16xf32>
      %exp3A_115 = math.exp %sub3A_114 : vector<16xf32>
      %add3A_116 = arith.addf %exp3A, %exp3A_87 : vector<16xf32>
      %add3A_117 = arith.addf %add3A_116, %exp3A_89 : vector<16xf32>
      %add3A_118 = arith.addf %add3A_117, %exp3A_91 : vector<16xf32>
      %add3A_119 = arith.addf %add3A_118, %exp3A_93 : vector<16xf32>
      %add3A_120 = arith.addf %add3A_119, %exp3A_95 : vector<16xf32>
      %add3A_121 = arith.addf %add3A_120, %exp3A_97 : vector<16xf32>
      %add3A_122 = arith.addf %add3A_121, %exp3A_99 : vector<16xf32>
      %add3A_123 = arith.addf %add3A_122, %exp3A_101 : vector<16xf32>
      %add3A_124 = arith.addf %add3A_123, %exp3A_103 : vector<16xf32>
      %add3A_125 = arith.addf %add3A_124, %exp3A_105 : vector<16xf32>
      %add3A_126 = arith.addf %add3A_125, %exp3A_107 : vector<16xf32>
      %add3A_127 = arith.addf %add3A_126, %exp3A_109 : vector<16xf32>
      %add3A_128 = arith.addf %add3A_127, %exp3A_111 : vector<16xf32>
      %add3A_129 = arith.addf %add3A_128, %exp3A_113 : vector<16xf32>
      %add3A_130 = arith.addf %add3A_129, %exp3A_115 : vector<16xf32>
      %div3A = arith.divf %exp3A, %add3A_130 : vector<16xf32>
      %div3A_131 = arith.divf %exp3A_87, %add3A_130 : vector<16xf32>
      %div3A_132 = arith.divf %exp3A_89, %add3A_130 : vector<16xf32>
      %div3A_133 = arith.divf %exp3A_91, %add3A_130 : vector<16xf32>
      %div3A_134 = arith.divf %exp3A_93, %add3A_130 : vector<16xf32>
      %div3A_135 = arith.divf %exp3A_95, %add3A_130 : vector<16xf32>
      %div3A_136 = arith.divf %exp3A_97, %add3A_130 : vector<16xf32>
      %div3A_137 = arith.divf %exp3A_99, %add3A_130 : vector<16xf32>
      %div3A_138 = arith.divf %exp3A_101, %add3A_130 : vector<16xf32>
      %div3A_139 = arith.divf %exp3A_103, %add3A_130 : vector<16xf32>
      %div3A_140 = arith.divf %exp3A_105, %add3A_130 : vector<16xf32>
      %div3A_141 = arith.divf %exp3A_107, %add3A_130 : vector<16xf32>
      %div3A_142 = arith.divf %exp3A_109, %add3A_130 : vector<16xf32>
      %div3A_143 = arith.divf %exp3A_111, %add3A_130 : vector<16xf32>
      %div3A_144 = arith.divf %exp3A_113, %add3A_130 : vector<16xf32>
      %div3A_145 = arith.divf %exp3A_115, %add3A_130 : vector<16xf32>
      %max3A_146 = arith.maximumf %div3A, %div3A_131 : vector<16xf32>
      %max3A_147 = arith.maximumf %max3A_146, %div3A_132 : vector<16xf32>
      %max3A_148 = arith.maximumf %max3A_147, %div3A_133 : vector<16xf32>
      %max3A_149 = arith.maximumf %max3A_148, %div3A_134 : vector<16xf32>
      %max3A_150 = arith.maximumf %max3A_149, %div3A_135 : vector<16xf32>
      %max3A_151 = arith.maximumf %max3A_150, %div3A_136 : vector<16xf32>
      %max3A_152 = arith.maximumf %max3A_151, %div3A_137 : vector<16xf32>
      %max3A_153 = arith.maximumf %max3A_152, %div3A_138 : vector<16xf32>
      %max3A_154 = arith.maximumf %max3A_153, %div3A_139 : vector<16xf32>
      %max3A_155 = arith.maximumf %max3A_154, %div3A_140 : vector<16xf32>
      %max3A_156 = arith.maximumf %max3A_155, %div3A_141 : vector<16xf32>
      %max3A_157 = arith.maximumf %max3A_156, %div3A_142 : vector<16xf32>
      %max3A_158 = arith.maximumf %max3A_157, %div3A_143 : vector<16xf32>
      %max3A_159 = arith.maximumf %max3A_158, %div3A_144 : vector<16xf32>
      %max3A_160 = arith.maximumf %max3A_159, %div3A_145 : vector<16xf32>
      %eq3A = arith.cmpf oeq, %div3A, %max3A_160 : vector<16xf32>
      %jit3A = arith.constant 0 : i32
      %jit3A_161 = arith.constant 16 : i32
      %broadcast_in_dim3A = vector.broadcast %jit3A : i32 to vector<16xi32>
      %broadcast_in_dim3A_162 = vector.broadcast %jit3A_161 : i32 to vector<16xi32>
      %select_n3A = arith.select %eq3A, %broadcast_in_dim3A, %broadcast_in_dim3A_162 : vector<16xi1>, vector<16xi32>
      %eq3A_163 = arith.cmpf oeq, %div3A_131, %max3A_160 : vector<16xf32>
      %jit3A_164 = arith.constant 1 : i32
      %jit3A_165 = arith.constant 16 : i32
      %broadcast_in_dim3A_166 = vector.broadcast %jit3A_164 : i32 to vector<16xi32>
      %broadcast_in_dim3A_167 = vector.broadcast %jit3A_165 : i32 to vector<16xi32>
      %select_n3A_168 = arith.select %eq3A_163, %broadcast_in_dim3A_166, %broadcast_in_dim3A_167 : vector<16xi1>, vector<16xi32>
      %min3A = arith.minsi %select_n3A, %select_n3A_168 : vector<16xi32>
      %eq3A_169 = arith.cmpf oeq, %div3A_132, %max3A_160 : vector<16xf32>
      %jit3A_170 = arith.constant 2 : i32
      %jit3A_171 = arith.constant 16 : i32
      %broadcast_in_dim3A_172 = vector.broadcast %jit3A_170 : i32 to vector<16xi32>
      %broadcast_in_dim3A_173 = vector.broadcast %jit3A_171 : i32 to vector<16xi32>
      %select_n3A_174 = arith.select %eq3A_169, %broadcast_in_dim3A_172, %broadcast_in_dim3A_173 : vector<16xi1>, vector<16xi32>
      %min3A_175 = arith.minsi %min3A, %select_n3A_174 : vector<16xi32>
      %eq3A_176 = arith.cmpf oeq, %div3A_133, %max3A_160 : vector<16xf32>
      %jit3A_177 = arith.constant 3 : i32
      %jit3A_178 = arith.constant 16 : i32
      %broadcast_in_dim3A_179 = vector.broadcast %jit3A_177 : i32 to vector<16xi32>
      %broadcast_in_dim3A_180 = vector.broadcast %jit3A_178 : i32 to vector<16xi32>
      %select_n3A_181 = arith.select %eq3A_176, %broadcast_in_dim3A_179, %broadcast_in_dim3A_180 : vector<16xi1>, vector<16xi32>
      %min3A_182 = arith.minsi %min3A_175, %select_n3A_181 : vector<16xi32>
      %eq3A_183 = arith.cmpf oeq, %div3A_134, %max3A_160 : vector<16xf32>
      %jit3A_184 = arith.constant 4 : i32
      %jit3A_185 = arith.constant 16 : i32
      %broadcast_in_dim3A_186 = vector.broadcast %jit3A_184 : i32 to vector<16xi32>
      %broadcast_in_dim3A_187 = vector.broadcast %jit3A_185 : i32 to vector<16xi32>
      %select_n3A_188 = arith.select %eq3A_183, %broadcast_in_dim3A_186, %broadcast_in_dim3A_187 : vector<16xi1>, vector<16xi32>
      %min3A_189 = arith.minsi %min3A_182, %select_n3A_188 : vector<16xi32>
      %eq3A_190 = arith.cmpf oeq, %div3A_135, %max3A_160 : vector<16xf32>
      %jit3A_191 = arith.constant 5 : i32
      %jit3A_192 = arith.constant 16 : i32
      %broadcast_in_dim3A_193 = vector.broadcast %jit3A_191 : i32 to vector<16xi32>
      %broadcast_in_dim3A_194 = vector.broadcast %jit3A_192 : i32 to vector<16xi32>
      %select_n3A_195 = arith.select %eq3A_190, %broadcast_in_dim3A_193, %broadcast_in_dim3A_194 : vector<16xi1>, vector<16xi32>
      %min3A_196 = arith.minsi %min3A_189, %select_n3A_195 : vector<16xi32>
      %eq3A_197 = arith.cmpf oeq, %div3A_136, %max3A_160 : vector<16xf32>
      %jit3A_198 = arith.constant 6 : i32
      %jit3A_199 = arith.constant 16 : i32
      %broadcast_in_dim3A_200 = vector.broadcast %jit3A_198 : i32 to vector<16xi32>
      %broadcast_in_dim3A_201 = vector.broadcast %jit3A_199 : i32 to vector<16xi32>
      %select_n3A_202 = arith.select %eq3A_197, %broadcast_in_dim3A_200, %broadcast_in_dim3A_201 : vector<16xi1>, vector<16xi32>
      %min3A_203 = arith.minsi %min3A_196, %select_n3A_202 : vector<16xi32>
      %eq3A_204 = arith.cmpf oeq, %div3A_137, %max3A_160 : vector<16xf32>
      %jit3A_205 = arith.constant 7 : i32
      %jit3A_206 = arith.constant 16 : i32
      %broadcast_in_dim3A_207 = vector.broadcast %jit3A_205 : i32 to vector<16xi32>
      %broadcast_in_dim3A_208 = vector.broadcast %jit3A_206 : i32 to vector<16xi32>
      %select_n3A_209 = arith.select %eq3A_204, %broadcast_in_dim3A_207, %broadcast_in_dim3A_208 : vector<16xi1>, vector<16xi32>
      %min3A_210 = arith.minsi %min3A_203, %select_n3A_209 : vector<16xi32>
      %eq3A_211 = arith.cmpf oeq, %div3A_138, %max3A_160 : vector<16xf32>
      %jit3A_212 = arith.constant 8 : i32
      %jit3A_213 = arith.constant 16 : i32
      %broadcast_in_dim3A_214 = vector.broadcast %jit3A_212 : i32 to vector<16xi32>
      %broadcast_in_dim3A_215 = vector.broadcast %jit3A_213 : i32 to vector<16xi32>
      %select_n3A_216 = arith.select %eq3A_211, %broadcast_in_dim3A_214, %broadcast_in_dim3A_215 : vector<16xi1>, vector<16xi32>
      %min3A_217 = arith.minsi %min3A_210, %select_n3A_216 : vector<16xi32>
      %eq3A_218 = arith.cmpf oeq, %div3A_139, %max3A_160 : vector<16xf32>
      %jit3A_219 = arith.constant 9 : i32
      %jit3A_220 = arith.constant 16 : i32
      %broadcast_in_dim3A_221 = vector.broadcast %jit3A_219 : i32 to vector<16xi32>
      %broadcast_in_dim3A_222 = vector.broadcast %jit3A_220 : i32 to vector<16xi32>
      %select_n3A_223 = arith.select %eq3A_218, %broadcast_in_dim3A_221, %broadcast_in_dim3A_222 : vector<16xi1>, vector<16xi32>
      %min3A_224 = arith.minsi %min3A_217, %select_n3A_223 : vector<16xi32>
      %eq3A_225 = arith.cmpf oeq, %div3A_140, %max3A_160 : vector<16xf32>
      %jit3A_226 = arith.constant 10 : i32
      %jit3A_227 = arith.constant 16 : i32
      %broadcast_in_dim3A_228 = vector.broadcast %jit3A_226 : i32 to vector<16xi32>
      %broadcast_in_dim3A_229 = vector.broadcast %jit3A_227 : i32 to vector<16xi32>
      %select_n3A_230 = arith.select %eq3A_225, %broadcast_in_dim3A_228, %broadcast_in_dim3A_229 : vector<16xi1>, vector<16xi32>
      %min3A_231 = arith.minsi %min3A_224, %select_n3A_230 : vector<16xi32>
      %eq3A_232 = arith.cmpf oeq, %div3A_141, %max3A_160 : vector<16xf32>
      %jit3A_233 = arith.constant 11 : i32
      %jit3A_234 = arith.constant 16 : i32
      %broadcast_in_dim3A_235 = vector.broadcast %jit3A_233 : i32 to vector<16xi32>
      %broadcast_in_dim3A_236 = vector.broadcast %jit3A_234 : i32 to vector<16xi32>
      %select_n3A_237 = arith.select %eq3A_232, %broadcast_in_dim3A_235, %broadcast_in_dim3A_236 : vector<16xi1>, vector<16xi32>
      %min3A_238 = arith.minsi %min3A_231, %select_n3A_237 : vector<16xi32>
      %eq3A_239 = arith.cmpf oeq, %div3A_142, %max3A_160 : vector<16xf32>
      %jit3A_240 = arith.constant 12 : i32
      %jit3A_241 = arith.constant 16 : i32
      %broadcast_in_dim3A_242 = vector.broadcast %jit3A_240 : i32 to vector<16xi32>
      %broadcast_in_dim3A_243 = vector.broadcast %jit3A_241 : i32 to vector<16xi32>
      %select_n3A_244 = arith.select %eq3A_239, %broadcast_in_dim3A_242, %broadcast_in_dim3A_243 : vector<16xi1>, vector<16xi32>
      %min3A_245 = arith.minsi %min3A_238, %select_n3A_244 : vector<16xi32>
      %eq3A_246 = arith.cmpf oeq, %div3A_143, %max3A_160 : vector<16xf32>
      %jit3A_247 = arith.constant 13 : i32
      %jit3A_248 = arith.constant 16 : i32
      %broadcast_in_dim3A_249 = vector.broadcast %jit3A_247 : i32 to vector<16xi32>
      %broadcast_in_dim3A_250 = vector.broadcast %jit3A_248 : i32 to vector<16xi32>
      %select_n3A_251 = arith.select %eq3A_246, %broadcast_in_dim3A_249, %broadcast_in_dim3A_250 : vector<16xi1>, vector<16xi32>
      %min3A_252 = arith.minsi %min3A_245, %select_n3A_251 : vector<16xi32>
      %eq3A_253 = arith.cmpf oeq, %div3A_144, %max3A_160 : vector<16xf32>
      %jit3A_254 = arith.constant 14 : i32
      %jit3A_255 = arith.constant 16 : i32
      %broadcast_in_dim3A_256 = vector.broadcast %jit3A_254 : i32 to vector<16xi32>
      %broadcast_in_dim3A_257 = vector.broadcast %jit3A_255 : i32 to vector<16xi32>
      %select_n3A_258 = arith.select %eq3A_253, %broadcast_in_dim3A_256, %broadcast_in_dim3A_257 : vector<16xi1>, vector<16xi32>
      %min3A_259 = arith.minsi %min3A_252, %select_n3A_258 : vector<16xi32>
      %eq3A_260 = arith.cmpf oeq, %div3A_145, %max3A_160 : vector<16xf32>
      %jit3A_261 = arith.constant 15 : i32
      %jit3A_262 = arith.constant 16 : i32
      %broadcast_in_dim3A_263 = vector.broadcast %jit3A_261 : i32 to vector<16xi32>
      %broadcast_in_dim3A_264 = vector.broadcast %jit3A_262 : i32 to vector<16xi32>
      %select_n3A_265 = arith.select %eq3A_260, %broadcast_in_dim3A_263, %broadcast_in_dim3A_264 : vector<16xi1>, vector<16xi32>
      %min3A_266 = arith.minsi %min3A_259, %select_n3A_265 : vector<16xi32>
      %eq3A_267 = arith.constant 0 : i32
      %eq3A_268 = vector.broadcast %eq3A_267 : i32 to vector<16xi32>
      %eq3A_269 = arith.cmpi eq, %min3A_266, %eq3A_268 : vector<16xi32>
      %jit3A_270 = arith.constant -1.000000e+00 : f32
      %broadcast_in_dim3A_271 = vector.broadcast %jit3A_270 : f32 to vector<16xf32>
      %select_n3A_272 = arith.select %eq3A_269, %broadcast_in_dim3A_271, %div3A : vector<16xi1>, vector<16xf32>
      %eq3A_273 = arith.constant 1 : i32
      %eq3A_274 = vector.broadcast %eq3A_273 : i32 to vector<16xi32>
      %eq3A_275 = arith.cmpi eq, %min3A_266, %eq3A_274 : vector<16xi32>
      %jit3A_276 = arith.constant -1.000000e+00 : f32
      %broadcast_in_dim3A_277 = vector.broadcast %jit3A_276 : f32 to vector<16xf32>
      %select_n3A_278 = arith.select %eq3A_275, %broadcast_in_dim3A_277, %div3A_131 : vector<16xi1>, vector<16xf32>
      %eq3A_279 = arith.constant 2 : i32
      %eq3A_280 = vector.broadcast %eq3A_279 : i32 to vector<16xi32>
      %eq3A_281 = arith.cmpi eq, %min3A_266, %eq3A_280 : vector<16xi32>
      %jit3A_282 = arith.constant -1.000000e+00 : f32
      %broadcast_in_dim3A_283 = vector.broadcast %jit3A_282 : f32 to vector<16xf32>
      %select_n3A_284 = arith.select %eq3A_281, %broadcast_in_dim3A_283, %div3A_132 : vector<16xi1>, vector<16xf32>
      %eq3A_285 = arith.constant 3 : i32
      %eq3A_286 = vector.broadcast %eq3A_285 : i32 to vector<16xi32>
      %eq3A_287 = arith.cmpi eq, %min3A_266, %eq3A_286 : vector<16xi32>
      %jit3A_288 = arith.constant -1.000000e+00 : f32
      %broadcast_in_dim3A_289 = vector.broadcast %jit3A_288 : f32 to vector<16xf32>
      %select_n3A_290 = arith.select %eq3A_287, %broadcast_in_dim3A_289, %div3A_133 : vector<16xi1>, vector<16xf32>
      %eq3A_291 = arith.constant 4 : i32
      %eq3A_292 = vector.broadcast %eq3A_291 : i32 to vector<16xi32>
      %eq3A_293 = arith.cmpi eq, %min3A_266, %eq3A_292 : vector<16xi32>
      %jit3A_294 = arith.constant -1.000000e+00 : f32
      %broadcast_in_dim3A_295 = vector.broadcast %jit3A_294 : f32 to vector<16xf32>
      %select_n3A_296 = arith.select %eq3A_293, %broadcast_in_dim3A_295, %div3A_134 : vector<16xi1>, vector<16xf32>
      %eq3A_297 = arith.constant 5 : i32
      %eq3A_298 = vector.broadcast %eq3A_297 : i32 to vector<16xi32>
      %eq3A_299 = arith.cmpi eq, %min3A_266, %eq3A_298 : vector<16xi32>
      %jit3A_300 = arith.constant -1.000000e+00 : f32
      %broadcast_in_dim3A_301 = vector.broadcast %jit3A_300 : f32 to vector<16xf32>
      %select_n3A_302 = arith.select %eq3A_299, %broadcast_in_dim3A_301, %div3A_135 : vector<16xi1>, vector<16xf32>
      %eq3A_303 = arith.constant 6 : i32
      %eq3A_304 = vector.broadcast %eq3A_303 : i32 to vector<16xi32>
      %eq3A_305 = arith.cmpi eq, %min3A_266, %eq3A_304 : vector<16xi32>
      %jit3A_306 = arith.constant -1.000000e+00 : f32
      %broadcast_in_dim3A_307 = vector.broadcast %jit3A_306 : f32 to vector<16xf32>
      %select_n3A_308 = arith.select %eq3A_305, %broadcast_in_dim3A_307, %div3A_136 : vector<16xi1>, vector<16xf32>
      %eq3A_309 = arith.constant 7 : i32
      %eq3A_310 = vector.broadcast %eq3A_309 : i32 to vector<16xi32>
      %eq3A_311 = arith.cmpi eq, %min3A_266, %eq3A_310 : vector<16xi32>
      %jit3A_312 = arith.constant -1.000000e+00 : f32
      %broadcast_in_dim3A_313 = vector.broadcast %jit3A_312 : f32 to vector<16xf32>
      %select_n3A_314 = arith.select %eq3A_311, %broadcast_in_dim3A_313, %div3A_137 : vector<16xi1>, vector<16xf32>
      %eq3A_315 = arith.constant 8 : i32
      %eq3A_316 = vector.broadcast %eq3A_315 : i32 to vector<16xi32>
      %eq3A_317 = arith.cmpi eq, %min3A_266, %eq3A_316 : vector<16xi32>
      %jit3A_318 = arith.constant -1.000000e+00 : f32
      %broadcast_in_dim3A_319 = vector.broadcast %jit3A_318 : f32 to vector<16xf32>
      %select_n3A_320 = arith.select %eq3A_317, %broadcast_in_dim3A_319, %div3A_138 : vector<16xi1>, vector<16xf32>
      %eq3A_321 = arith.constant 9 : i32
      %eq3A_322 = vector.broadcast %eq3A_321 : i32 to vector<16xi32>
      %eq3A_323 = arith.cmpi eq, %min3A_266, %eq3A_322 : vector<16xi32>
      %jit3A_324 = arith.constant -1.000000e+00 : f32
      %broadcast_in_dim3A_325 = vector.broadcast %jit3A_324 : f32 to vector<16xf32>
      %select_n3A_326 = arith.select %eq3A_323, %broadcast_in_dim3A_325, %div3A_139 : vector<16xi1>, vector<16xf32>
      %eq3A_327 = arith.constant 10 : i32
      %eq3A_328 = vector.broadcast %eq3A_327 : i32 to vector<16xi32>
      %eq3A_329 = arith.cmpi eq, %min3A_266, %eq3A_328 : vector<16xi32>
      %jit3A_330 = arith.constant -1.000000e+00 : f32
      %broadcast_in_dim3A_331 = vector.broadcast %jit3A_330 : f32 to vector<16xf32>
      %select_n3A_332 = arith.select %eq3A_329, %broadcast_in_dim3A_331, %div3A_140 : vector<16xi1>, vector<16xf32>
      %eq3A_333 = arith.constant 11 : i32
      %eq3A_334 = vector.broadcast %eq3A_333 : i32 to vector<16xi32>
      %eq3A_335 = arith.cmpi eq, %min3A_266, %eq3A_334 : vector<16xi32>
      %jit3A_336 = arith.constant -1.000000e+00 : f32
      %broadcast_in_dim3A_337 = vector.broadcast %jit3A_336 : f32 to vector<16xf32>
      %select_n3A_338 = arith.select %eq3A_335, %broadcast_in_dim3A_337, %div3A_141 : vector<16xi1>, vector<16xf32>
      %eq3A_339 = arith.constant 12 : i32
      %eq3A_340 = vector.broadcast %eq3A_339 : i32 to vector<16xi32>
      %eq3A_341 = arith.cmpi eq, %min3A_266, %eq3A_340 : vector<16xi32>
      %jit3A_342 = arith.constant -1.000000e+00 : f32
      %broadcast_in_dim3A_343 = vector.broadcast %jit3A_342 : f32 to vector<16xf32>
      %select_n3A_344 = arith.select %eq3A_341, %broadcast_in_dim3A_343, %div3A_142 : vector<16xi1>, vector<16xf32>
      %eq3A_345 = arith.constant 13 : i32
      %eq3A_346 = vector.broadcast %eq3A_345 : i32 to vector<16xi32>
      %eq3A_347 = arith.cmpi eq, %min3A_266, %eq3A_346 : vector<16xi32>
      %jit3A_348 = arith.constant -1.000000e+00 : f32
      %broadcast_in_dim3A_349 = vector.broadcast %jit3A_348 : f32 to vector<16xf32>
      %select_n3A_350 = arith.select %eq3A_347, %broadcast_in_dim3A_349, %div3A_143 : vector<16xi1>, vector<16xf32>
      %eq3A_351 = arith.constant 14 : i32
      %eq3A_352 = vector.broadcast %eq3A_351 : i32 to vector<16xi32>
      %eq3A_353 = arith.cmpi eq, %min3A_266, %eq3A_352 : vector<16xi32>
      %jit3A_354 = arith.constant -1.000000e+00 : f32
      %broadcast_in_dim3A_355 = vector.broadcast %jit3A_354 : f32 to vector<16xf32>
      %select_n3A_356 = arith.select %eq3A_353, %broadcast_in_dim3A_355, %div3A_144 : vector<16xi1>, vector<16xf32>
      %eq3A_357 = arith.constant 15 : i32
      %eq3A_358 = vector.broadcast %eq3A_357 : i32 to vector<16xi32>
      %eq3A_359 = arith.cmpi eq, %min3A_266, %eq3A_358 : vector<16xi32>
      %jit3A_360 = arith.constant -1.000000e+00 : f32
      %broadcast_in_dim3A_361 = vector.broadcast %jit3A_360 : f32 to vector<16xf32>
      %select_n3A_362 = arith.select %eq3A_359, %broadcast_in_dim3A_361, %div3A_145 : vector<16xi1>, vector<16xf32>
      %max3A_363 = arith.maximumf %select_n3A_272, %select_n3A_278 : vector<16xf32>
      %max3A_364 = arith.maximumf %max3A_363, %select_n3A_284 : vector<16xf32>
      %max3A_365 = arith.maximumf %max3A_364, %select_n3A_290 : vector<16xf32>
      %max3A_366 = arith.maximumf %max3A_365, %select_n3A_296 : vector<16xf32>
      %max3A_367 = arith.maximumf %max3A_366, %select_n3A_302 : vector<16xf32>
      %max3A_368 = arith.maximumf %max3A_367, %select_n3A_308 : vector<16xf32>
      %max3A_369 = arith.maximumf %max3A_368, %select_n3A_314 : vector<16xf32>
      %max3A_370 = arith.maximumf %max3A_369, %select_n3A_320 : vector<16xf32>
      %max3A_371 = arith.maximumf %max3A_370, %select_n3A_326 : vector<16xf32>
      %max3A_372 = arith.maximumf %max3A_371, %select_n3A_332 : vector<16xf32>
      %max3A_373 = arith.maximumf %max3A_372, %select_n3A_338 : vector<16xf32>
      %max3A_374 = arith.maximumf %max3A_373, %select_n3A_344 : vector<16xf32>
      %max3A_375 = arith.maximumf %max3A_374, %select_n3A_350 : vector<16xf32>
      %max3A_376 = arith.maximumf %max3A_375, %select_n3A_356 : vector<16xf32>
      %max3A_377 = arith.maximumf %max3A_376, %select_n3A_362 : vector<16xf32>
      %eq3A_378 = arith.cmpf oeq, %select_n3A_272, %max3A_377 : vector<16xf32>
      %jit3A_379 = arith.constant 0 : i32
      %jit3A_380 = arith.constant 16 : i32
      %broadcast_in_dim3A_381 = vector.broadcast %jit3A_379 : i32 to vector<16xi32>
      %broadcast_in_dim3A_382 = vector.broadcast %jit3A_380 : i32 to vector<16xi32>
      %select_n3A_383 = arith.select %eq3A_378, %broadcast_in_dim3A_381, %broadcast_in_dim3A_382 : vector<16xi1>, vector<16xi32>
      %eq3A_384 = arith.cmpf oeq, %select_n3A_278, %max3A_377 : vector<16xf32>
      %jit3A_385 = arith.constant 1 : i32
      %jit3A_386 = arith.constant 16 : i32
      %broadcast_in_dim3A_387 = vector.broadcast %jit3A_385 : i32 to vector<16xi32>
      %broadcast_in_dim3A_388 = vector.broadcast %jit3A_386 : i32 to vector<16xi32>
      %select_n3A_389 = arith.select %eq3A_384, %broadcast_in_dim3A_387, %broadcast_in_dim3A_388 : vector<16xi1>, vector<16xi32>
      %min3A_390 = arith.minsi %select_n3A_383, %select_n3A_389 : vector<16xi32>
      %eq3A_391 = arith.cmpf oeq, %select_n3A_284, %max3A_377 : vector<16xf32>
      %jit3A_392 = arith.constant 2 : i32
      %jit3A_393 = arith.constant 16 : i32
      %broadcast_in_dim3A_394 = vector.broadcast %jit3A_392 : i32 to vector<16xi32>
      %broadcast_in_dim3A_395 = vector.broadcast %jit3A_393 : i32 to vector<16xi32>
      %select_n3A_396 = arith.select %eq3A_391, %broadcast_in_dim3A_394, %broadcast_in_dim3A_395 : vector<16xi1>, vector<16xi32>
      %min3A_397 = arith.minsi %min3A_390, %select_n3A_396 : vector<16xi32>
      %eq3A_398 = arith.cmpf oeq, %select_n3A_290, %max3A_377 : vector<16xf32>
      %jit3A_399 = arith.constant 3 : i32
      %jit3A_400 = arith.constant 16 : i32
      %broadcast_in_dim3A_401 = vector.broadcast %jit3A_399 : i32 to vector<16xi32>
      %broadcast_in_dim3A_402 = vector.broadcast %jit3A_400 : i32 to vector<16xi32>
      %select_n3A_403 = arith.select %eq3A_398, %broadcast_in_dim3A_401, %broadcast_in_dim3A_402 : vector<16xi1>, vector<16xi32>
      %min3A_404 = arith.minsi %min3A_397, %select_n3A_403 : vector<16xi32>
      %eq3A_405 = arith.cmpf oeq, %select_n3A_296, %max3A_377 : vector<16xf32>
      %jit3A_406 = arith.constant 4 : i32
      %jit3A_407 = arith.constant 16 : i32
      %broadcast_in_dim3A_408 = vector.broadcast %jit3A_406 : i32 to vector<16xi32>
      %broadcast_in_dim3A_409 = vector.broadcast %jit3A_407 : i32 to vector<16xi32>
      %select_n3A_410 = arith.select %eq3A_405, %broadcast_in_dim3A_408, %broadcast_in_dim3A_409 : vector<16xi1>, vector<16xi32>
      %min3A_411 = arith.minsi %min3A_404, %select_n3A_410 : vector<16xi32>
      %eq3A_412 = arith.cmpf oeq, %select_n3A_302, %max3A_377 : vector<16xf32>
      %jit3A_413 = arith.constant 5 : i32
      %jit3A_414 = arith.constant 16 : i32
      %broadcast_in_dim3A_415 = vector.broadcast %jit3A_413 : i32 to vector<16xi32>
      %broadcast_in_dim3A_416 = vector.broadcast %jit3A_414 : i32 to vector<16xi32>
      %select_n3A_417 = arith.select %eq3A_412, %broadcast_in_dim3A_415, %broadcast_in_dim3A_416 : vector<16xi1>, vector<16xi32>
      %min3A_418 = arith.minsi %min3A_411, %select_n3A_417 : vector<16xi32>
      %eq3A_419 = arith.cmpf oeq, %select_n3A_308, %max3A_377 : vector<16xf32>
      %jit3A_420 = arith.constant 6 : i32
      %jit3A_421 = arith.constant 16 : i32
      %broadcast_in_dim3A_422 = vector.broadcast %jit3A_420 : i32 to vector<16xi32>
      %broadcast_in_dim3A_423 = vector.broadcast %jit3A_421 : i32 to vector<16xi32>
      %select_n3A_424 = arith.select %eq3A_419, %broadcast_in_dim3A_422, %broadcast_in_dim3A_423 : vector<16xi1>, vector<16xi32>
      %min3A_425 = arith.minsi %min3A_418, %select_n3A_424 : vector<16xi32>
      %eq3A_426 = arith.cmpf oeq, %select_n3A_314, %max3A_377 : vector<16xf32>
      %jit3A_427 = arith.constant 7 : i32
      %jit3A_428 = arith.constant 16 : i32
      %broadcast_in_dim3A_429 = vector.broadcast %jit3A_427 : i32 to vector<16xi32>
      %broadcast_in_dim3A_430 = vector.broadcast %jit3A_428 : i32 to vector<16xi32>
      %select_n3A_431 = arith.select %eq3A_426, %broadcast_in_dim3A_429, %broadcast_in_dim3A_430 : vector<16xi1>, vector<16xi32>
      %min3A_432 = arith.minsi %min3A_425, %select_n3A_431 : vector<16xi32>
      %eq3A_433 = arith.cmpf oeq, %select_n3A_320, %max3A_377 : vector<16xf32>
      %jit3A_434 = arith.constant 8 : i32
      %jit3A_435 = arith.constant 16 : i32
      %broadcast_in_dim3A_436 = vector.broadcast %jit3A_434 : i32 to vector<16xi32>
      %broadcast_in_dim3A_437 = vector.broadcast %jit3A_435 : i32 to vector<16xi32>
      %select_n3A_438 = arith.select %eq3A_433, %broadcast_in_dim3A_436, %broadcast_in_dim3A_437 : vector<16xi1>, vector<16xi32>
      %min3A_439 = arith.minsi %min3A_432, %select_n3A_438 : vector<16xi32>
      %eq3A_440 = arith.cmpf oeq, %select_n3A_326, %max3A_377 : vector<16xf32>
      %jit3A_441 = arith.constant 9 : i32
      %jit3A_442 = arith.constant 16 : i32
      %broadcast_in_dim3A_443 = vector.broadcast %jit3A_441 : i32 to vector<16xi32>
      %broadcast_in_dim3A_444 = vector.broadcast %jit3A_442 : i32 to vector<16xi32>
      %select_n3A_445 = arith.select %eq3A_440, %broadcast_in_dim3A_443, %broadcast_in_dim3A_444 : vector<16xi1>, vector<16xi32>
      %min3A_446 = arith.minsi %min3A_439, %select_n3A_445 : vector<16xi32>
      %eq3A_447 = arith.cmpf oeq, %select_n3A_332, %max3A_377 : vector<16xf32>
      %jit3A_448 = arith.constant 10 : i32
      %jit3A_449 = arith.constant 16 : i32
      %broadcast_in_dim3A_450 = vector.broadcast %jit3A_448 : i32 to vector<16xi32>
      %broadcast_in_dim3A_451 = vector.broadcast %jit3A_449 : i32 to vector<16xi32>
      %select_n3A_452 = arith.select %eq3A_447, %broadcast_in_dim3A_450, %broadcast_in_dim3A_451 : vector<16xi1>, vector<16xi32>
      %min3A_453 = arith.minsi %min3A_446, %select_n3A_452 : vector<16xi32>
      %eq3A_454 = arith.cmpf oeq, %select_n3A_338, %max3A_377 : vector<16xf32>
      %jit3A_455 = arith.constant 11 : i32
      %jit3A_456 = arith.constant 16 : i32
      %broadcast_in_dim3A_457 = vector.broadcast %jit3A_455 : i32 to vector<16xi32>
      %broadcast_in_dim3A_458 = vector.broadcast %jit3A_456 : i32 to vector<16xi32>
      %select_n3A_459 = arith.select %eq3A_454, %broadcast_in_dim3A_457, %broadcast_in_dim3A_458 : vector<16xi1>, vector<16xi32>
      %min3A_460 = arith.minsi %min3A_453, %select_n3A_459 : vector<16xi32>
      %eq3A_461 = arith.cmpf oeq, %select_n3A_344, %max3A_377 : vector<16xf32>
      %jit3A_462 = arith.constant 12 : i32
      %jit3A_463 = arith.constant 16 : i32
      %broadcast_in_dim3A_464 = vector.broadcast %jit3A_462 : i32 to vector<16xi32>
      %broadcast_in_dim3A_465 = vector.broadcast %jit3A_463 : i32 to vector<16xi32>
      %select_n3A_466 = arith.select %eq3A_461, %broadcast_in_dim3A_464, %broadcast_in_dim3A_465 : vector<16xi1>, vector<16xi32>
      %min3A_467 = arith.minsi %min3A_460, %select_n3A_466 : vector<16xi32>
      %eq3A_468 = arith.cmpf oeq, %select_n3A_350, %max3A_377 : vector<16xf32>
      %jit3A_469 = arith.constant 13 : i32
      %jit3A_470 = arith.constant 16 : i32
      %broadcast_in_dim3A_471 = vector.broadcast %jit3A_469 : i32 to vector<16xi32>
      %broadcast_in_dim3A_472 = vector.broadcast %jit3A_470 : i32 to vector<16xi32>
      %select_n3A_473 = arith.select %eq3A_468, %broadcast_in_dim3A_471, %broadcast_in_dim3A_472 : vector<16xi1>, vector<16xi32>
      %min3A_474 = arith.minsi %min3A_467, %select_n3A_473 : vector<16xi32>
      %eq3A_475 = arith.cmpf oeq, %select_n3A_356, %max3A_377 : vector<16xf32>
      %jit3A_476 = arith.constant 14 : i32
      %jit3A_477 = arith.constant 16 : i32
      %broadcast_in_dim3A_478 = vector.broadcast %jit3A_476 : i32 to vector<16xi32>
      %broadcast_in_dim3A_479 = vector.broadcast %jit3A_477 : i32 to vector<16xi32>
      %select_n3A_480 = arith.select %eq3A_475, %broadcast_in_dim3A_478, %broadcast_in_dim3A_479 : vector<16xi1>, vector<16xi32>
      %min3A_481 = arith.minsi %min3A_474, %select_n3A_480 : vector<16xi32>
      %eq3A_482 = arith.cmpf oeq, %select_n3A_362, %max3A_377 : vector<16xf32>
      %jit3A_483 = arith.constant 15 : i32
      %jit3A_484 = arith.constant 16 : i32
      %broadcast_in_dim3A_485 = vector.broadcast %jit3A_483 : i32 to vector<16xi32>
      %broadcast_in_dim3A_486 = vector.broadcast %jit3A_484 : i32 to vector<16xi32>
      %select_n3A_487 = arith.select %eq3A_482, %broadcast_in_dim3A_485, %broadcast_in_dim3A_486 : vector<16xi1>, vector<16xi32>
      %min3A_488 = arith.minsi %min3A_481, %select_n3A_487 : vector<16xi32>
      %add3A_489 = arith.addf %max3A_160, %max3A_377 : vector<16xf32>
      %mul3A_490 = arith.constant 2 : i32
      %mul3A_491 = vector.broadcast %mul3A_490 : i32 to vector<16xi32>
      %mul3A_492 = arith.muli %iota3A, %mul3A_491 : vector<16xi32>
      %mul3A_493 = arith.constant 32 : i32
      %mul3A_494 = arith.muli %scan3A_6, %mul3A_493 : i32
      %add3A_495 = vector.broadcast %mul3A_494 : i32 to vector<16xi32>
      %add3A_496 = arith.addi %mul3A_492, %add3A_495 : vector<16xi32>
      %add3A_497 = arith.constant 1 : i32
      %add3A_498 = vector.broadcast %add3A_497 : i32 to vector<16xi32>
      %add3A_499 = arith.addi %add3A_496, %add3A_498 : vector<16xi32>
      %div3A_500 = arith.divf %max3A_160, %add3A_489 : vector<16xf32>
      tpu.vector_store_idx %arg6[%add3A_496], %div3A_500 : memref<1024xf32, #tpu.memory_space<vmem>>[vector<16xi32>], vector<16xf32>,
      %div3A_501 = arith.divf %max3A_377, %add3A_489 : vector<16xf32>
      tpu.vector_store_idx %arg6[%add3A_499], %div3A_501 : memref<1024xf32, #tpu.memory_space<vmem>>[vector<16xi32>], vector<16xf32>,
      tpu.vector_store_idx %arg7[%add3A_496], %min3A_266 : memref<1024xi32, #tpu.memory_space<vmem>>[vector<16xi32>], vector<16xi32>,
      tpu.vector_store_idx %arg7[%add3A_499], %min3A_488 : memref<1024xi32, #tpu.memory_space<vmem>>[vector<16xi32>], vector<16xi32>,
    }
    %scan3A_5 = arith.constant 32 : i32
    "tpu.region"() ({
      %run_scoped3A = tpu.sem_alloc : memref<!tpu.dma_semaphore, #tpu.memory_space<semaphore_mem>>
      %dma_start3A = arith.constant 0 : i32
      %dma_start3A_6 = tpu.memref_slice %arg3[%add3A, %dma_start3A] : memref<32x1024xf32, #tpu.memory_space<hbm>> -> memref<1x1024xf32, #tpu.memory_space<hbm>>
      %dma_start3A_7 = tpu.memref_squeeze %dma_start3A_6 : memref<1x1024xf32, #tpu.memory_space<hbm>> -> memref<1024xf32, #tpu.memory_space<hbm>>
      %dma_start3A_8 = arith.constant 0 : i32
      %dma_start3A_9 = tpu.memref_slice %arg3[%add3A, %dma_start3A_8] : memref<32x1024xf32, #tpu.memory_space<hbm>> -> memref<1x1024xf32, #tpu.memory_space<hbm>>
      %dma_start3A_10 = tpu.memref_squeeze %dma_start3A_9 : memref<1x1024xf32, #tpu.memory_space<hbm>> -> memref<1024xf32, #tpu.memory_space<hbm>>
      tpu.enqueue_dma source(%arg6 : memref<1024xf32, #tpu.memory_space<vmem>>) target(%dma_start3A_10 : memref<1024xf32, #tpu.memory_space<hbm>>) target_semaphore(%run_scoped3A : memref<!tpu.dma_semaphore, #tpu.memory_space<semaphore_mem>>)
      %dma_wait3A = arith.constant 0 : i32
      %dma_wait3A_11 = tpu.memref_slice %arg3[%add3A, %dma_wait3A] : memref<32x1024xf32, #tpu.memory_space<hbm>> -> memref<1x1024xf32, #tpu.memory_space<hbm>>
      %dma_wait3A_12 = tpu.memref_squeeze %dma_wait3A_11 : memref<1x1024xf32, #tpu.memory_space<hbm>> -> memref<1024xf32, #tpu.memory_space<hbm>>
      %dma_wait3A_13 = arith.constant 0 : i32
      %dma_wait3A_14 = tpu.memref_slice %arg3[%add3A, %dma_wait3A_13] : memref<32x1024xf32, #tpu.memory_space<hbm>> -> memref<1x1024xf32, #tpu.memory_space<hbm>>
      %dma_wait3A_15 = tpu.memref_squeeze %dma_wait3A_14 : memref<1x1024xf32, #tpu.memory_space<hbm>> -> memref<1024xf32, #tpu.memory_space<hbm>>
      tpu.wait_dma2 semaphore(%run_scoped3A : memref<!tpu.dma_semaphore, #tpu.memory_space<semaphore_mem>>) src(%arg6 : memref<1024xf32, #tpu.memory_space<vmem>>) dst(%dma_wait3A_15 : memref<1024xf32, #tpu.memory_space<hbm>>)
      tpu.yield
    }) : () -> ()
    "tpu.region"() ({
      %run_scoped3A = tpu.sem_alloc : memref<!tpu.dma_semaphore, #tpu.memory_space<semaphore_mem>>
      %dma_start3A = arith.constant 0 : i32
      %dma_start3A_6 = tpu.memref_slice %arg4[%add3A, %dma_start3A] : memref<32x1024xi32, #tpu.memory_space<hbm>> -> memref<1x1024xi32, #tpu.memory_space<hbm>>
      %dma_start3A_7 = tpu.memref_squeeze %dma_start3A_6 : memref<1x1024xi32, #tpu.memory_space<hbm>> -> memref<1024xi32, #tpu.memory_space<hbm>>
      %dma_start3A_8 = arith.constant 0 : i32
      %dma_start3A_9 = tpu.memref_slice %arg4[%add3A, %dma_start3A_8] : memref<32x1024xi32, #tpu.memory_space<hbm>> -> memref<1x1024xi32, #tpu.memory_space<hbm>>
      %dma_start3A_10 = tpu.memref_squeeze %dma_start3A_9 : memref<1x1024xi32, #tpu.memory_space<hbm>> -> memref<1024xi32, #tpu.memory_space<hbm>>
      tpu.enqueue_dma source(%arg7 : memref<1024xi32, #tpu.memory_space<vmem>>) target(%dma_start3A_10 : memref<1024xi32, #tpu.memory_space<hbm>>) target_semaphore(%run_scoped3A : memref<!tpu.dma_semaphore, #tpu.memory_space<semaphore_mem>>)
      %dma_wait3A = arith.constant 0 : i32
      %dma_wait3A_11 = tpu.memref_slice %arg4[%add3A, %dma_wait3A] : memref<32x1024xi32, #tpu.memory_space<hbm>> -> memref<1x1024xi32, #tpu.memory_space<hbm>>
      %dma_wait3A_12 = tpu.memref_squeeze %dma_wait3A_11 : memref<1x1024xi32, #tpu.memory_space<hbm>> -> memref<1024xi32, #tpu.memory_space<hbm>>
      %dma_wait3A_13 = arith.constant 0 : i32
      %dma_wait3A_14 = tpu.memref_slice %arg4[%add3A, %dma_wait3A_13] : memref<32x1024xi32, #tpu.memory_space<hbm>> -> memref<1x1024xi32, #tpu.memory_space<hbm>>
      %dma_wait3A_15 = tpu.memref_squeeze %dma_wait3A_14 : memref<1x1024xi32, #tpu.memory_space<hbm>> -> memref<1024xi32, #tpu.memory_space<hbm>>
      tpu.wait_dma2 semaphore(%run_scoped3A : memref<!tpu.dma_semaphore, #tpu.memory_space<semaphore_mem>>) src(%arg7 : memref<1024xi32, #tpu.memory_space<vmem>>) dst(%dma_wait3A_15 : memref<1024xi32, #tpu.memory_space<hbm>>)
      tpu.yield
    }) : () -> ()
    return
  }
}

module attributes {stable_mosaic.version = 14 : i64} {
  func.func @_matmul_block(%arg0: i32, %arg1: memref<2048x2048xf32, #tpu.memory_space<vmem>>, %arg2: memref<16x2048xf32, #tpu.memory_space<vmem>>, %arg3: memref<16x1xf32, #tpu.memory_space<vmem>>, %arg4: memref<4x16x512xf32, #tpu.memory_space<vmem>>) attributes {dimension_semantics = [#tpu.dimension_semantics<arbitrary>], iteration_bounds = array<i64: 8>, scalar_prefetch = 0 : i64, scratch_operands = 0 : i64, tpu.core_type = #tpu.core_type<tc>, window_params = [{transform_indices = @transform_0, window_bounds = array<i64: 2048, 2048>}, {pipeline_mode = #tpu.pipeline_mode<synchronous>, transform_indices = @transform_1, window_bounds = array<i64: 16, 2048>}, {pipeline_mode = #tpu.pipeline_mode<synchronous>, transform_indices = @transform_2, window_bounds = array<i64: 16, 1>}, {transform_indices = @transform_3, window_bounds = array<i64: 4, 16, 512>}]} {
    %get3A = arith.constant 0 : index
    %get3A_0 = arith.constant 0 : index
    %get3A_1 = vector.load %arg2[%get3A, %get3A_0] : memref<16x2048xf32, #tpu.memory_space<vmem>>, vector<16x2048xf32>
    %get3A_2 = arith.constant 0 : index
    %get3A_3 = arith.constant 0 : index
    %get3A_4 = vector.load %arg1[%get3A_2, %get3A_3] : memref<2048x2048xf32, #tpu.memory_space<vmem>>, vector<2048x2048xf32>
    %dot_general3A = arith.constant dense<0.000000e+00> : vector<16x2048xf32>
    %dot_general3A_5 = tpu.matmul %get3A_1, %get3A_4, %dot_general3A {dimension_numbers = #tpu.dot_dimension_numbers<[1], [1], [0], [0], [0, 0, 1, 0], [], []>, transpose_lhs_hint = false} : vector<16x2048xf32>, vector<2048x2048xf32>, vector<16x2048xf32> -> vector<16x2048xf32>
    %get3A_6 = arith.constant 0 : index
    %get3A_7 = arith.constant 0 : index
    %get3A_8 = vector.load %arg3[%get3A_6, %get3A_7] : memref<16x1xf32, #tpu.memory_space<vmem>>, vector<16x1xf32>
    %add3A = vector.broadcast %get3A_8 : vector<16x1xf32> to vector<16x2048xf32>
    %add3A_9 = arith.addf %dot_general3A_5, %add3A : vector<16x2048xf32>
    %slice3A = vector.extract_strided_slice %add3A_9 {offsets = [0, 0], sizes = [16, 512], strides = [1, 1]} : vector<16x2048xf32> to vector<16x512xf32>
    %swap3A = arith.constant 0 : index
    %swap3A_10 = arith.constant 0 : index
    %swap3A_11 = arith.constant 0 : index
    %swap3A_12 = vector.load %arg4[%swap3A, %swap3A_10, %swap3A_11] : memref<4x16x512xf32, #tpu.memory_space<vmem>>, vector<1x16x512xf32>
    %swap3A_13 = vector.shape_cast %swap3A_12 : vector<1x16x512xf32> to vector<16x512xf32>
    %swap3A_14 = vector.shape_cast %slice3A : vector<16x512xf32> to vector<1x16x512xf32>
    tpu.vector_store %arg4[%swap3A, %swap3A_10, %swap3A_11], %swap3A_14 {strides = array<i32>} : memref<4x16x512xf32, #tpu.memory_space<vmem>>, vector<1x16x512xf32>,
    %slice3A_15 = vector.extract_strided_slice %add3A_9 {offsets = [0, 512], sizes = [16, 512], strides = [1, 1]} : vector<16x2048xf32> to vector<16x512xf32>
    %swap3A_16 = arith.constant 1 : index
    %swap3A_17 = arith.constant 0 : index
    %swap3A_18 = arith.constant 0 : index
    %swap3A_19 = vector.load %arg4[%swap3A_16, %swap3A_17, %swap3A_18] : memref<4x16x512xf32, #tpu.memory_space<vmem>>, vector<1x16x512xf32>
    %swap3A_20 = vector.shape_cast %swap3A_19 : vector<1x16x512xf32> to vector<16x512xf32>
    %swap3A_21 = vector.shape_cast %slice3A_15 : vector<16x512xf32> to vector<1x16x512xf32>
    tpu.vector_store %arg4[%swap3A_16, %swap3A_17, %swap3A_18], %swap3A_21 {strides = array<i32>} : memref<4x16x512xf32, #tpu.memory_space<vmem>>, vector<1x16x512xf32>,
    %slice3A_22 = vector.extract_strided_slice %add3A_9 {offsets = [0, 1024], sizes = [16, 512], strides = [1, 1]} : vector<16x2048xf32> to vector<16x512xf32>
    %swap3A_23 = arith.constant 2 : index
    %swap3A_24 = arith.constant 0 : index
    %swap3A_25 = arith.constant 0 : index
    %swap3A_26 = vector.load %arg4[%swap3A_23, %swap3A_24, %swap3A_25] : memref<4x16x512xf32, #tpu.memory_space<vmem>>, vector<1x16x512xf32>
    %swap3A_27 = vector.shape_cast %swap3A_26 : vector<1x16x512xf32> to vector<16x512xf32>
    %swap3A_28 = vector.shape_cast %slice3A_22 : vector<16x512xf32> to vector<1x16x512xf32>
    tpu.vector_store %arg4[%swap3A_23, %swap3A_24, %swap3A_25], %swap3A_28 {strides = array<i32>} : memref<4x16x512xf32, #tpu.memory_space<vmem>>, vector<1x16x512xf32>,
    %slice3A_29 = vector.extract_strided_slice %add3A_9 {offsets = [0, 1536], sizes = [16, 512], strides = [1, 1]} : vector<16x2048xf32> to vector<16x512xf32>
    %swap3A_30 = arith.constant 3 : index
    %swap3A_31 = arith.constant 0 : index
    %swap3A_32 = arith.constant 0 : index
    %swap3A_33 = vector.load %arg4[%swap3A_30, %swap3A_31, %swap3A_32] : memref<4x16x512xf32, #tpu.memory_space<vmem>>, vector<1x16x512xf32>
    %swap3A_34 = vector.shape_cast %swap3A_33 : vector<1x16x512xf32> to vector<16x512xf32>
    %swap3A_35 = vector.shape_cast %slice3A_29 : vector<16x512xf32> to vector<1x16x512xf32>
    tpu.vector_store %arg4[%swap3A_30, %swap3A_31, %swap3A_32], %swap3A_35 {strides = array<i32>} : memref<4x16x512xf32, #tpu.memory_space<vmem>>, vector<1x16x512xf32>,
    return
  }
  func.func @transform_0(%arg0: i32) -> (i32, i32) {
    %c0_i32 = arith.constant 0 : i32
    %c0_i32_0 = arith.constant 0 : i32
    return %arg0, %c0_i32 : i32, i32
  }
  func.func @transform_1(%arg0: i32) -> (i32, i32) {
    %c0_i32 = arith.constant 0 : i32
    %c0_i32_0 = arith.constant 0 : i32
    %c0_i32_1 = arith.constant 0 : i32
    return %c0_i32, %c0_i32_0 : i32, i32
  }
  func.func @transform_2(%arg0: i32) -> (i32, i32) {
    %c0_i32 = arith.constant 0 : i32
    %c0_i32_0 = arith.constant 0 : i32
    %c0_i32_1 = arith.constant 0 : i32
    return %c0_i32, %c0_i32_0 : i32, i32
  }
  func.func @transform_3(%arg0: i32) -> (i32, i32, i32) {
    %c0_i32 = arith.constant 0 : i32
    %c0_i32_0 = arith.constant 0 : i32
    %c0_i32_1 = arith.constant 0 : i32
    return %arg0, %c0_i32, %c0_i32_0 : i32, i32, i32
  }
}

</mosaic_0001>

<sc_bundles>
// kernel: kernel.4.cloned.1.call-start
scs
__scs_entry_jumppad:
0x0: {  	(pc) =	sbr.rel $0x88, $3  }
0x1: {  	(tag) =	ssettag $0x0;
	lr =	simm.s32 $0x1  }
0x2: {  	[smem:$0x3F9E] =	sst lr;
	_ =	strace $0xD0000000  }
0x3: {  	_ = 	snop  }
0x4: {  	_ = 	snop  }
0x5: {  	_ = 	snop  }
0x6: {  	_ = 	snop  }
0x7: {  	_ = 	snop  }
__scs_overlays_trampoline_lowered:
0x8: {  	[smem:$0x3FAD] =	sst s0  }
0x9: {  	[smem:$0x3FAE] =	sst s1  }
0xa: {  	[smem:$0x3FAF] =	sst s2  }
0xb: {  	[smem:$0x3FB0] =	sst s3  }
0xc: {  	[smem:$0x3FB1] =	sst s4  }
0xd: {  	[smem:$0x3FB2] =	sst s5  }
0xe: {  	[smem:$0x3FB3] =	sst s6  }
0xf: {  	[smem:$0x3FB4] =	sst s7  }
0x10: {  	[smem:$0x3FB5] =	sst s8  }
0x11: {  	[smem:$0x3FB6] =	sst s9;
	s0 =	simm.s32 @!p0 $0x0  }
0x12: {  	s1 =	sld [smem:$0x3F9C];
	s0 =	simm.s32 @p0 $0x1  }
0x13: {  	[smem:$0x3FB7] =	sst s0;
	s0 =	simm.s32 @!p1 $0x0  }
0x14: {  	s2 =	sld [smem:$0x3F9B];
	s0 =	simm.s32 @p1 $0x1  }
0x15: {  	[smem:$0x3FB8] =	sst s0;
	s0 =	simm.s32 @!p2 $0x0  }
0x16: {  	s3 =	sld [smem:$0x3FDB];
	s0 =	simm.s32 @p2 $0x1  }
0x17: {  	s4 =	simm.s32 $0x1BF5;
	[smem:$0x3FBA] =	sst s0  }
0x18: {  	s0 =	sld [smem:$0x3F9D];
	_ =	swait.ge [sflag:s4], $0x0  }
0x19: {  	s7 =	sld [smem:$0x3F9E]  }
0x1a: {  	s8 =	sadd.s32 $0xFFFFE003, lr  }
0x1b: {  	s9 =	sadd.s32 $0xFFFFFEF7, lr;
	s5 =	simm.s32 $0xFFFFFFFF;
	p2 =	slt.u32 s8, $0xFFFFF086  }
0x1c: {  	p1 =	slt.u32 s9, $0xF7A;
	s5 =	simm.s32 @!p2 $0x0  }
0x1d: {  	s5 =	simm.s32 @p1 $0x1;
	p0 =	seq.s32 s7, s2  }
0x1e: {  	s7 =	smul.u32 @!p0 $0xF7A, s2;
	p2 =	seq.s32 @!p0 s5, $0x0  }
0x1f: {  	s9 =	smul.u32 $0xF7A, s1;
	s8 =	simm.s32 @!p0 $0x1BF5;
	p2 =	por !p2, p0  }
0x20: {  	[sflag:s8] =	ssyncset.s32 @!p0 $0xFFFFF086;
	s6 =	sadd.s32 @!p0 s3, s7;
	s7 =	simm.s32 @!p0 $0x108  }
0x21: {  	s3 =	sadd.s32 s3, s9;
	s6 =	sadd.s32 @!p0 $0x88, s6;
	s7 =	simm.s32 @p2 $0x1082  }
0x22: {  	[simem:s7], [sflag:s8] =	dma.local @!p0 [hbm:s6], $0xF7A  }
0x23: {  	s9 =	sor.u32 $0xD0000000, s2;
	s6 =	simm.s32 $0x108;
	_ =	swait.ge @!p0 [sflag:s8], $0x0  }
0x24: {  	s3 =	sadd.s32 $0x88, s3;
	s6 =	simm.s32 @!p1 $0x1082;
	[sflag:s4] =	ssyncset.s32 $0xFFFFF086  }
0x25: {  	[simem:s6], [sflag:s4] =	dma.local [hbm:s3], $0xF7A  }
0x26: {  	[smem:$0x3F9E] =	sst s1;
	(tag) =	ssettag s2;
	_ =	strace s9  }
0x27: {  	s1 =	sld [smem:$0x3FAE]  }
0x28: {  	s2 =	sld [smem:$0x3FAF]  }
0x29: {  	s4 =	sld [smem:$0x3FB1]  }
0x2a: {  	p0 =	seq.s32 s5, $0x0;
	s5 =	sld [smem:$0x3FB2]  }
0x2b: {  	s6 =	sld [smem:$0x3FB3]  }
0x2c: {  	s7 =	sld [smem:$0x3FB4]  }
0x2d: {  	s3 =	simm.s32 $0x108;
	s8 =	sld [smem:$0x3FB5]  }
0x2e: {  	s3 =	simm.s32 @!p0 $0x1082;
	s9 =	sld [smem:$0x3FB6]  }
0x2f: {  	lr =	sadd.s32 s0, s3;
	s0 =	sld [smem:$0x3FAD]  }
0x30: {  	s3 =	sld [smem:$0x3FB0]  }
0x31: {  	[smem:$0x3FB9] =	sst s10  }
0x32: {  	s10 =	sld [smem:$0x3FB7];
	_ =	sdelay $0x3  }
0x33: {  	p0 =	seq.s32 s10, $0x1;
	s10 =	sld [smem:$0x3FB9];
	_ =	sdelay $0x3  }
0x34: {  	[smem:$0x3FB9] =	sst s10  }
0x35: {  	s10 =	sld [smem:$0x3FB8];
	_ =	sdelay $0x3  }
0x36: {  	p1 =	seq.s32 s10, $0x1;
	s10 =	sld [smem:$0x3FB9];
	_ =	sdelay $0x3  }
0x37: {  	[smem:$0x3FB9] =	sst s10  }
0x38: {  	s10 =	sld [smem:$0x3FBA]  }
0x39: {  	_ = 	snop;
	(pc) =	sbr.ind lr, $3  }
0x3a: {  	_ = 	snop  }
0x3b: {  	_ = 	snop  }
0x3c: {  	p2 =	seq.s32 s10, $0x1;
	s10 =	sld [smem:$0x3FB9]  }
0x3d: {  	_ =	shalt  }
0x3e: {  	_ =	shalt  }
0x3f: {  	_ =	shalt  }
0x40: {  	_ =	shalt  }
0x41: {  	_ =	shalt  }
0x42: {  	_ =	shalt  }
0x43: {  	_ =	shalt  }
0x44: {  	_ =	shalt  }
0x45: {  	_ =	shalt  }
0x46: {  	_ =	shalt  }
0x47: {  	_ =	shalt  }
0x48: {  	_ =	shalt  }
0x49: {  	_ =	shalt  }
0x4a: {  	_ =	shalt  }
0x4b: {  	_ =	shalt  }
0x4c: {  	_ =	shalt  }
0x4d: {  	_ =	shalt  }
0x4e: {  	_ =	shalt  }
0x4f: {  	_ =	shalt  }
0x50: {  	_ =	shalt  }
0x51: {  	_ =	shalt  }
0x52: {  	_ =	shalt  }
0x53: {  	_ =	shalt  }
0x54: {  	_ =	shalt  }
0x55: {  	_ =	shalt  }
0x56: {  	_ =	shalt  }
0x57: {  	_ =	shalt  }
0x58: {  	_ =	shalt  }
0x59: {  	_ =	shalt  }
0x5a: {  	_ =	shalt  }
0x5b: {  	_ =	shalt  }
0x5c: {  	_ =	shalt  }
0x5d: {  	_ =	shalt  }
0x5e: {  	_ =	shalt  }
0x5f: {  	_ =	shalt  }
0x60: {  	_ =	shalt  }
0x61: {  	_ =	shalt  }
0x62: {  	_ =	shalt  }
0x63: {  	_ =	shalt  }
0x64: {  	_ =	shalt  }
0x65: {  	_ =	shalt  }
0x66: {  	_ =	shalt  }
0x67: {  	_ =	shalt  }
0x68: {  	_ =	shalt  }
0x69: {  	_ =	shalt  }
0x6a: {  	_ =	shalt  }
0x6b: {  	_ =	shalt  }
0x6c: {  	_ =	shalt  }
0x6d: {  	_ =	shalt  }
0x6e: {  	_ =	shalt  }
0x6f: {  	_ =	shalt  }
0x70: {  	_ =	shalt  }
0x71: {  	_ =	shalt  }
0x72: {  	_ =	shalt  }
0x73: {  	_ =	shalt  }
0x74: {  	_ =	shalt  }
0x75: {  	_ =	shalt  }
0x76: {  	_ =	shalt  }
0x77: {  	_ =	shalt  }
0x78: {  	_ =	shalt  }
0x79: {  	_ =	shalt  }
0x7a: {  	_ =	shalt  }
0x7b: {  	_ =	shalt  }
0x7c: {  	_ =	shalt  }
0x7d: {  	_ =	shalt  }
0x7e: {  	_ =	shalt  }
0x7f: {  	_ =	shalt  }
0x80: {  	_ =	shalt  }
0x81: {  	_ =	shalt  }
0x82: {  	_ =	shalt  }
0x83: {  	_ =	shalt  }
0x84: {  	_ =	shalt  }
0x85: {  	_ =	shalt  }
0x86: {  	_ =	shalt  }
0x87: {  	_ =	shalt  }
.Lfunc_end0:
.L_simem_size_0:
called_computation_lowered:
.L_overlay_start_0:
0x88: {  	s2 =	sld [smem:$0x3FD9]  }
0x89: {  	s3 =	sld [smem:$0x3FFE];
	_ =	sdelay $0x1  }
0x8a: {  	s1 =	srdreg.scid  }
0x8b: {  	s0 =	sand.u32 $0x1, s1  }
0x8c: {  	s14 =	sshll.u32 s0, $0xA;
	s2 =	sadd.s32 s3, s2  }
0x8d: {  	s2 =	sadd.s32 s2, s14  }
0x8e: {  	[smem:$0x3FC5] =	sst s2  }
0x8f: {  	_ = 	snop  }
0x90: {  	s2 =	sld [smem:$0x3FD0];
	_ =	sdelay $0x2  }
0x91: {  	s15 =	simm.s32 $0xA;
	s4 =	simm.s32 $0x10  }
0x92: {  	[smem:s4], [sflag:s15] =	dma.local [hbm:s2], $0x1  }
0x93: {  	_ =	swait.eq [sflag:s15], $0x1  }
0x94: {  	[sflag:s15] =	ssyncset.done $0x0  }
0x95: {  	[sflag:s15] =	ssyncadd.s32 $0xFFFFFFFF  }
0x96: {  	s16 =	sld [smem:$0x11];
	(tm) =	ssettm $0x1  }
0x97: {  	s17 =	sld [smem:$0x3FFB];
	_ =	sdelay $0x3  }
0x98: {  	_ =	strace s17  }
0x99: {  	s3 =	sld [smem:$0x3FFC];
	_ =	sdelay $0x3  }
0x9a: {  	_ =	strace s3  }
0x9b: {  	s3 =	sld [smem:$0x3FFD];
	_ =	sdelay $0x3  }
0x9c: {  	_ =	strace s3  }
0x9d: {  	_ =	strace $0x8FFFFFFF  }
0x9e: {  	s18 =	sld [smem:$0x3FDB];
	_ =	sdelay $0x1  }
0x9f: {  	s19 =	simm.s32 $_scs_section_size  }
0xa0: {  	s5 =	simm.s32 $_size__tile_overlayer_lowered;
	s6 =	simm.s32 $_tile_overlayer_lowered  }
0xa1: {  	s22 =	simm.s32 $0x1BFF;
	s21 =	sshll.u32 s6, $0x1;
	s3 =	sadd.s32 s19, s18  }
0xa2: {  	s7 =	simm.s32 $0x0;
	s20 =	sshll.u32 s5, $0x1;
	s5 =	sadd.s32 s21, s3  }
0xa3: {  	[timem:s7], [sflag:s22] =	dma.local [hbm:s5], s20  }
0xa4: {  	_ =	swait.ge [sflag:s22], s20  }
0xa5: {  	s4 =	ssub.s32 $0x0, s20;
	[sflag:s22] =	ssyncset.done $0x0  }
0xa6: {  	[sflag:s22] =	ssyncadd.s32 s4;
	_ =	sdelay $0x1  }
0xa7: {  	s23 =	simm.s32 $0x1B8B  }
0xa8: {  	_ =	swait.ge [sflag:s23], $0x1  }
0xa9: {  	[sflag:s23] =	ssyncset.done $0x0  }
0xaa: {  	s25 =	simm.s32 $0x1B8E;
	s24 =	sld [smem:$0x3FFE];
	[sflag:s23] =	ssyncadd.s32 $0xFFFFFFFF  }
0xab: {  	s26 =	simm.s32 $execute0_lowered;
	[smem:$0x3FD2] =	sst s25  }
0xac: {  	s5 =	sshll.u32 s26, $0x1;
	_ =	strace $0x80000046;
	[dreg:$0x1] =	wrdreg $0xFFFFFFFF  }
0xad: {  	s28 =	simm.s32 $_size_execute0_lowered;
	s3 =	sadd.s32 s3, s5;
	[dreg:$0x0] =	wrdreg $0x0  }
0xae: {  	s5 =	sshll.u32 s28, $0x1;
	[dreg:$0x2] =	wrdreg s3  }
0xaf: {  	[dreg:$0x3] =	wrdreg s5  }
0xb0: {  	[dreg:$0x4] =	wrdreg $0xC0  }
0xb1: {  	_ =	task [dreg:s7], $0x5FFFF  }
0xb2: {  	[dreg:$0x1] =	wrdreg $0xFFFFFFFF  }
0xb3: {  	[dreg:$0x0] =	wrdreg $0x60  }
0xb4: {  	[dreg:$0x2] =	wrdreg s24  }
0xb5: {  	[dreg:$0x3] =	wrdreg s16  }
0xb6: {  	[dreg:$0x4] =	wrdreg $0x9  }
0xb7: {  	_ =	task.clear_ibuf [dreg:s7], $0x5FFFF;
	_ =	strace $0x90000046  }
0xb8: {  	s29 =	simm.s32 $0x9;
	_ =	strace $0x80000048  }
0xb9: {  	_ =	swait.ge [sflag:s29], $0x1  }
0xba: {  	[sflag:s29] =	ssyncadd.s32 $0xFFFFFFFF  }
0xbb: {  	_ =	strace $0x90000048  }
0xbc: {  	_ =	sfence  }
0xbd: {  	s30 =	sld [smem:$0x0];
	_ =	sdelay $0x2  }
0xbe: {  	s31 =	sshll.u32 s1, $0xD;
	s1 =	sshrl.u32 s1, $0x2  }
0xbf: {  	s3 =	sand.u32 $0x4000, s31;
	s1 =	sadd.s32 s1, s30  }
0xc0: {  	s0 =	sor.u32 s3, s0;
	s1 =	sshll.u32 s1, $0x11  }
0xc1: {  	s0 =	sor.u32 s1, s0  }
0xc2: {  	s0 =	sadd.s32 $0x8F2B, s0  }
0xc3: {  	[sflag:s0] =	ssyncadd.remote.s32 $0x1  }
0xc4: {  	_ =	sfence.sel $0xFFFF  }
0xc5: {  	[dreg:$0x0] =	wrdreg $0xFFFFFFFF;
	(pc) =	sbr.abs _section_cstart, $3  }
0xc6: {  	[dreg:$0x1] =	wrdreg $0xFFFFFFFF  }
0xc7: {  	_ =	task.clear_ibuf [dreg:s7], $0x2FFFF;
	_ =	strace $0x9FFFFFFF  }
0xc8: {  	(tm) =	ssettm $0x7FFFFFFF  }
0xc9: {  	_ =	shalt  }
tec
execute0_lowered:
.L_overlay_start_1:
0x0: {  	(tag) =	ssettag $0x1  }
0x1: {  	s3 =	rddreg [dreg:$0x0];
	s1 =	srdreg.scid  }
0x2: {  	s0 =	stileid.u32;
	s4 =	rddreg [dreg:$0x1]  }
0x3: {  	s10 =	simm.s32 $0x80;
	s5 =	sand.u32 $0x1, s1;
	s2 =	sshll.u32 s0, $0x1  }
0x4: {  	s11 =	simm.s32 $0x400;
	s12 =	simm.s32 $0x0;
	s6 =	sor.u32 s5, s2  }
0x5: {  	s1 =	rddreg [dreg:$0x2];
	s7 =	sshll.u32 s6, $0xA;
	s6 =	sshll.u32 s6, $0x7  }
0x6: {  	s2 =	simm.s32 $0x0;
	s5 =	ssub.s32 $0x2, s5;
	s6 =	sor.u32 s6, s7  }
0x7: {  	[smem:$0x7FF] =	sst s2;
	s8 =	sshrl.u32 s5, $0x1;
	s6 =	sand.u32 $0x6380, s6  }
0x8: {  	v0 =	vlaneseq.u32;
	_ =	strace $0x80000047;
	s7 =	sadd.s32 s7, s3;
	s6 =	sshrl.u32 s6, $0x3  }
0x9: {  	v0 =	vmul.u32 $0x2, v0;
	s8 =	ssub.s32 s5, s8;
	s9 =	sadd.s32 s6, s3;
	s3 =	sadd.s32 $0xE00, s7  }
0xa: {  	s4 =	sadd.s32 s4, s6;
	s6 =	smax.u32 s8, $0x1;
	s7 =	simm.s32 $0x1  }
0xb: {  	v1 =	vimm.s32 $0x10;
	v2 =	vor.u32 $0x1, v0;
	s8 =	simm.s32 $0x2000;
	s5 =	sadd.s32 $0x8E00, s9;
	s9 =	simm.s32 $0x2400  }
.LBB2_1:
0xc: {  	[tilespmem:s2], [sflag:$0x1] =	stream.linear.gather [hbm4b:s3+s2], $0x2000, $0x38;
	[tilespmem:$0x2800] =	vst v63  }
0xd: {  	_ =	swait.ge [sflag:s7], $0x2000  }
0xe: {  	s13 =	sand.u32 $0x70, s2;
	s14 =	sand.u32 $0xC00, s2;
	[sflag:s7] =	ssyncset.done $0x0  }
0xf: {  	s13 =	sor.u32 s13, s14;
	[sflag:s7] =	ssyncadd.s32 $0xFFFFE000  }
0x10: {  	v3 =	vld [tilespmem:s13+$0x0]  }
0x11: {  	v4 =	vld [tilespmem:s13+$0x80]  }
0x12: {  	v5 =	vld [tilespmem:s13+$0x100]  }
0x13: {  	v6 =	vld [tilespmem:s13+$0x180]  }
0x14: {  	v7 =	vld [tilespmem:s13+$0x200]  }
0x15: {  	s31 =	sor.u32 s2, s2;
	v8 =	vld [tilespmem:s13+$0x280]  }
0x16: {  	s14 =	sor.u32 $0x380, s31;
	v9 =	vld [tilespmem:s13+$0x300];
	v10 =	vmax.f32 v3, v4  }
0x17: {  	v11 =	vld [tilespmem:s14+$0x0];
	v10 =	vmax.f32 v10, v5  }
0x18: {  	v12 =	vld [tilespmem:s13+$0x1000];
	v10 =	vmax.f32 v10, v6  }
0x19: {  	v13 =	vld [tilespmem:s13+$0x1080];
	v10 =	vmax.f32 v10, v7  }
0x1a: {  	v14 =	vld [tilespmem:s13+$0x1100];
	v10 =	vmax.f32 v10, v8  }
0x1b: {  	v15 =	vld [tilespmem:s13+$0x1180];
	v10 =	vmax.f32 v10, v9  }
0x1c: {  	v16 =	vld [tilespmem:s13+$0x1200];
	v10 =	vmax.f32 v10, v11  }
0x1d: {  	v17 =	vld [tilespmem:s13+$0x1280];
	v10 =	vmax.f32 v10, v12  }
0x1e: {  	v18 =	vld [tilespmem:s13+$0x1300];
	v10 =	vmax.f32 v10, v13  }
0x1f: {  	v19 =	vld [tilespmem:s13+$0x1380];
	v10 =	vmax.f32 v10, v14  }
0x20: {  	v10 =	vmax.f32 v10, v15  }
0x21: {  	v10 =	vmax.f32 v10, v16  }
0x22: {  	v10 =	vmax.f32 v10, v17  }
0x23: {  	v10 =	vmax.f32 v10, v18  }
0x24: {  	v10 =	vmax.f32 v10, v19  }
0x25: {  	v3 =	vsub.f32 v3, v10  }
0x26: {  	v4 =	vsub.f32 v4, v10  }
0x27: {  	v3 =	vmul.f32 $1.442695020e+00, v3  }
0x28: {  	v5 =	vsub.f32 v5, v10;
	v4 =	vmul.f32 $1.442695020e+00, v4  }
0x29: {  	(erf) = vpow2.f32 v3  }
0x2a: {  	v5 =	vmul.f32 $1.442695020e+00, v5;
	v3 =	vsub.f32 v6, v10;
	(erf) = vpow2.f32 v4;
	_ =	sdelay $0x1  }
0x2b: {  	v4 =	vsub.f32 v7, v10;
	v3 =	vmul.f32 $1.442695020e+00, v3;
	(erf) = vpow2.f32 v5;
	_ =	sdelay $0x1  }
0x2c: {  	v5 =	vsub.f32 v8, v10;
	v4 =	vmul.f32 $1.442695020e+00, v4;
	(erf) = vpow2.f32 v3;
	_ =	sdelay $0x1  }
0x2d: {  	v3 =	vsub.f32 v9, v10;
	v5 =	vmul.f32 $1.442695020e+00, v5;
	(erf) = vpow2.f32 v4  }
0x2e: {  	v4 =	vsub.f32 v11, v10  }
0x2f: {  	v3 =	vmul.f32 $1.442695020e+00, v3;
	v6 =	vpop (erf);
	(erf) = vpow2.f32 v5  }
0x30: {  	v4 =	vmul.f32 $1.442695020e+00, v4;
	v7 =	vpop (erf)  }
0x31: {  	v5 =	vsub.f32 v12, v10;
	(erf) = vpow2.f32 v3;
	v8 =	vadd.f32 v7, v6  }
0x32: {  	v3 =	vsub.f32 v13, v10;
	v9 =	vpop (erf)  }
0x33: {  	v5 =	vmul.f32 $1.442695020e+00, v5;
	(erf) = vpow2.f32 v4;
	v8 =	vadd.f32 v8, v9  }
0x34: {  	v4 =	vsub.f32 v14, v10;
	v11 =	vpop (erf)  }
0x35: {  	v3 =	vmul.f32 $1.442695020e+00, v3;
	(erf) = vpow2.f32 v5;
	v8 =	vadd.f32 v8, v11  }
0x36: {  	v5 =	vsub.f32 v15, v10;
	v55 =	vpop (erf)  }
0x37: {  	v4 =	vmul.f32 $1.442695020e+00, v4;
	(erf) = vpow2.f32 v3;
	v8 =	vadd.f32 v8, v55  }
0x38: {  	v3 =	vsub.f32 v16, v10;
	v56 =	vpop (erf)  }
0x39: {  	v5 =	vmul.f32 $1.442695020e+00, v5;
	(erf) = vpow2.f32 v4;
	v8 =	vadd.f32 v8, v56  }
0x3a: {  	v4 =	vsub.f32 v17, v10;
	v57 =	vpop (erf)  }
0x3b: {  	v3 =	vmul.f32 $1.442695020e+00, v3;
	(erf) = vpow2.f32 v5;
	v8 =	vadd.f32 v8, v57  }
0x3c: {  	v5 =	vsub.f32 v18, v10;
	v58 =	vpop (erf);
	v4 =	vmul.f32 $1.442695020e+00, v4  }
0x3d: {  	(erf) = vpow2.f32 v3;
	v8 =	vadd.f32 v8, v58  }
0x3e: {  	v3 =	vsub.f32 v19, v10;
	v5 =	vmul.f32 $1.442695020e+00, v5;
	v10 =	vpop (erf)  }
0x3f: {  	(erf) = vpow2.f32 v4;
	v8 =	vadd.f32 v8, v10  }
0x40: {  	v3 =	vmul.f32 $1.442695020e+00, v3;
	v4 =	vpop (erf)  }
0x41: {  	(erf) = vpow2.f32 v5;
	v8 =	vadd.f32 v8, v4  }
0x42: {  	v5 =	vpop (erf)  }
0x43: {  	(erf) = vpow2.f32 v3;
	v8 =	vadd.f32 v8, v5  }
0x44: {  	v3 =	vpop (erf)  }
0x45: {  	v8 =	vadd.f32 v8, v3  }
0x46: {  	v59 =	vpop (erf)  }
0x47: {  	v8 =	vadd.f32 v8, v59  }
0x48: {  	v60 =	vpop (erf)  }
0x49: {  	v8 =	vadd.f32 v8, v60  }
0x4a: {  	v61 =	vpop (erf)  }
0x4b: {  	v8 =	vadd.f32 v8, v61  }
0x4c: {  	v62 =	vpop (erf)  }
0x4d: {  	v8 =	vadd.f32 v8, v62;
	_ =	sdelay $0x1  }
0x4e: {  	(erf) = vrcp.f32 v8;
	_ =	sdelay $0x8  }
0x4f: {  	v8 =	vpop (erf)  }
0x50: {  	v6 =	vmul.f32 v8, v6;
	v7 =	vmul.f32 v8, v7  }
0x51: {  	v9 =	vmul.f32 v8, v9  }
0x52: {  	v11 =	vmul.f32 v8, v11;
	v20 =	vmax.f32 v6, v7  }
0x53: {  	v12 =	vmul.f32 v8, v55;
	v20 =	vmax.f32 v20, v9  }
0x54: {  	v13 =	vmul.f32 v8, v56;
	v20 =	vmax.f32 v20, v11  }
0x55: {  	v14 =	vmul.f32 v8, v57;
	v20 =	vmax.f32 v20, v12  }
0x56: {  	v15 =	vmul.f32 v8, v58;
	v20 =	vmax.f32 v20, v13  }
0x57: {  	v10 =	vmul.f32 v8, v10;
	v20 =	vmax.f32 v20, v14  }
0x58: {  	v4 =	vmul.f32 v8, v4;
	v20 =	vmax.f32 v20, v15  }
0x59: {  	v5 =	vmul.f32 v8, v5;
	v20 =	vmax.f32 v20, v10  }
0x5a: {  	v21 =	vmul.f32 v8, v3;
	v3 =	vmax.f32 v20, v4  }
0x5b: {  	v16 =	vmul.f32 v8, v59;
	v3 =	vmax.f32 v3, v5  }
0x5c: {  	v17 =	vmul.f32 v8, v60;
	v3 =	vmax.f32 v3, v21  }
0x5d: {  	v18 =	vmul.f32 v8, v61;
	v3 =	vmax.f32 v3, v16  }
0x5e: {  	v8 =	vmul.f32 v8, v62;
	v3 =	vmax.f32 v3, v17  }
0x5f: {  	v3 =	vmax.f32 v3, v18  }
0x60: {  	v19 =	vmax.f32 v3, v8  }
0x61: {  	vm0 =	veq.f32 v8, v19  }
0x62: {  	vm1 =	veq.f32 v18, v19;
	v3 =	vsel vm0, $0xF, v1  }
0x63: {  	vm0 =	veq.f32 v17, v19;
	v3 =	vsel vm1, $0xE, v3  }
0x64: {  	vm1 =	veq.f32 v16, v19;
	v3 =	vsel vm0, $0xD, v3  }
0x65: {  	vm0 =	veq.f32 v21, v19;
	v3 =	vsel vm1, $0xC, v3  }
0x66: {  	vm1 =	veq.f32 v5, v19;
	v3 =	vsel vm0, $0xB, v3  }
0x67: {  	vm0 =	veq.f32 v4, v19;
	v3 =	vsel vm1, $0xA, v3  }
0x68: {  	vm1 =	veq.f32 v10, v19;
	v3 =	vsel vm0, $0x9, v3  }
0x69: {  	vm0 =	veq.f32 v15, v19;
	v3 =	vsel vm1, $0x8, v3  }
0x6a: {  	vm1 =	veq.f32 v14, v19;
	v3 =	vsel vm0, $0x7, v3  }
0x6b: {  	vm0 =	veq.f32 v13, v19;
	v3 =	vsel vm1, $0x6, v3  }
0x6c: {  	vm1 =	veq.f32 v12, v19;
	v3 =	vsel vm0, $0x5, v3  }
0x6d: {  	vm0 =	veq.f32 v11, v19;
	v3 =	vsel vm1, $0x4, v3  }
0x6e: {  	vm1 =	veq.f32 v9, v19;
	v3 =	vsel vm0, $0x3, v3  }
0x6f: {  	vm0 =	veq.f32 v7, v19;
	v3 =	vsel vm1, $0x2, v3  }
0x70: {  	vm1 =	veq.f32 v6, v19;
	v3 =	vsel vm0, $0x1, v3  }
0x71: {  	v3 =	vsel vm1, $0x0, v3  }
0x72: {  	vm0 =	veq.s32 v3, $0x0;
	vm1 =	veq.s32 v3, $0x1  }
0x73: {  	vm2 =	veq.s32 v3, $0x2;
	v63 =	vsel vm0, $0xBF800000, v6;
	v7 =	vsel vm1, $0xBF800000, v7  }
0x74: {  	v9 =	vsel vm2, $0xBF800000, v9;
	vm0 =	veq.s32 v3, $0x3;
	v6 =	vmax.f32 v63, v7  }
0x75: {  	vm1 =	veq.s32 v3, $0x4;
	v11 =	vsel vm0, $0xBF800000, v11;
	v6 =	vmax.f32 v6, v9  }
0x76: {  	v12 =	vsel vm1, $0xBF800000, v12;
	vm0 =	veq.s32 v3, $0x5;
	v6 =	vmax.f32 v6, v11  }
0x77: {  	vm1 =	veq.s32 v3, $0x6;
	v13 =	vsel vm0, $0xBF800000, v13;
	v6 =	vmax.f32 v6, v12  }
0x78: {  	v14 =	vsel vm1, $0xBF800000, v14;
	vm0 =	veq.s32 v3, $0x7;
	v6 =	vmax.f32 v6, v13  }
0x79: {  	vm1 =	veq.s32 v3, $0x8;
	v15 =	vsel vm0, $0xBF800000, v15;
	v6 =	vmax.f32 v6, v14  }
0x7a: {  	vm0 =	veq.s32 v3, $0x9;
	v10 =	vsel vm1, $0xBF800000, v10;
	v6 =	vmax.f32 v6, v15  }
0x7b: {  	vm1 =	veq.s32 v3, $0xA;
	v4 =	vsel vm0, $0xBF800000, v4;
	v6 =	vmax.f32 v6, v10  }
0x7c: {  	vm0 =	veq.s32 v3, $0xB;
	v5 =	vsel vm1, $0xBF800000, v5;
	v6 =	vmax.f32 v6, v4  }
0x7d: {  	vm1 =	veq.s32 v3, $0xC;
	v21 =	vsel vm0, $0xBF800000, v21;
	v6 =	vmax.f32 v6, v5  }
0x7e: {  	vm0 =	veq.s32 v3, $0xD;
	v16 =	vsel vm1, $0xBF800000, v16;
	v6 =	vmax.f32 v6, v21  }
0x7f: {  	vm1 =	veq.s32 v3, $0xE;
	v17 =	vsel vm0, $0xBF800000, v17;
	v6 =	vmax.f32 v6, v16  }
0x80: {  	vm0 =	veq.s32 v3, $0xF;
	v18 =	vsel vm1, $0xBF800000, v18;
	v6 =	vmax.f32 v6, v17  }
0x81: {  	v8 =	vsel vm0, $0xBF800000, v8;
	v6 =	vmax.f32 v6, v18  }
0x82: {  	v22 =	vmax.f32 v6, v8  }
0x83: {  	v6 =	vadd.f32 v22, v19  }
0x84: {  	vm0 =	veq.f32 v8, v22  }
0x85: {  	vm1 =	veq.f32 v18, v22;
	v8 =	vsel vm0, $0xF, v1;
	(erf) = vrcp.f32 v6  }
0x86: {  	vm0 =	veq.f32 v17, v22;
	v6 =	vsel vm1, $0xE, v8  }
0x87: {  	vm1 =	veq.f32 v16, v22;
	v6 =	vsel vm0, $0xD, v6  }
0x88: {  	vm0 =	veq.f32 v21, v22;
	v6 =	vsel vm1, $0xC, v6  }
0x89: {  	vm1 =	veq.f32 v5, v22;
	v5 =	vsel vm0, $0xB, v6  }
0x8a: {  	vm4 =	veq.f32 v13, v22;
	vm0 =	veq.f32 v4, v22;
	v4 =	vsel vm1, $0xA, v5  }
0x8b: {  	vm2 =	veq.f32 v14, v22;
	vm1 =	veq.f32 v10, v22;
	v4 =	vsel vm0, $0x9, v4  }
0x8c: {  	v6 =	vor.u32 s2, v0;
	vm0 =	veq.f32 v15, v22;
	v4 =	vsel vm1, $0x8, v4  }
0x8d: {  	vm5 =	veq.f32 v12, v22;
	v5 =	vor.u32 s2, v2;
	v4 =	vsel vm0, $0x7, v4  }
0x8e: {  	vm3 =	veq.f32 v11, v22;
	vm1 =	veq.f32 v9, v22;
	v4 =	vsel vm2, $0x6, v4;
	v8 =	vpop (erf)  }
0x8f: {  	vm2 =	veq.f32 v7, v22;
	v9 =	vsel vm4, $0x5, v4;
	v7 =	vmul.f32 v8, v19  }
0x90: {  	s15 =	simm.s32 $0x0;
	s13 =	simm.s32 $0x10;
	s14 =	simm.s32 $0x0;
	vm0 =	veq.f32 v63, v22;
	v4 =	vmul.f32 v8, v22;
	v8 =	vsel vm5, $0x4, v9  }
.LBB2_2:
0x91: {  	p0 =	sne.s32 s13, $0x1F0;
	v8 =	vsel vm3, $0x3, v8;
	[tilespmem:v6+s8+$0x0] =	vst.idx.msk $0xffff, v7;
	s14 =	sadd.s32 $0x20, s14;
	s15 =	sadd.s32 $0x80, s15  }
0x92: {  	s16 =	smov.u32 s13;
	s13 =	sadd.s32 $0x10, s13;
	v7 =	vsel vm1, $0x2, v8;
	[tilespmem:v5+s8+$0x0] =	vst.idx.msk $0xffff, v4  }
0x93: {  	s17 =	sand.u32 $0x70, s16;
	s18 =	sand.u32 $0xC00, s15;
	v4 =	vsel vm2, $0x1, v7;
	[tilespmem:v6+s9+$0x0] =	vst.idx.msk $0xffff, v3  }
0x94: {  	s17 =	sor.u32 s17, s18;
	v3 =	vsel vm0, $0x0, v4  }
0x95: {  	[tilespmem:v5+s9+$0x0] =	vst.idx.msk $0xffff, v3  }
0x96: {  	v3 =	vld [tilespmem:s17+$0x0]  }
0x97: {  	v4 =	vld [tilespmem:s17+$0x80]  }
0x98: {  	v5 =	vld [tilespmem:s17+$0x100]  }
0x99: {  	v6 =	vld [tilespmem:s17+$0x180]  }
0x9a: {  	v7 =	vld [tilespmem:s17+$0x200]  }
0x9b: {  	s16 =	sor.u32 s15, s16;
	v8 =	vld [tilespmem:s17+$0x280]  }
0x9c: {  	s16 =	sor.u32 $0x380, s16;
	v9 =	vld [tilespmem:s17+$0x300];
	v10 =	vmax.f32 v3, v4  }
0x9d: {  	v11 =	vld [tilespmem:s16+$0x0];
	v10 =	vmax.f32 v10, v5  }
0x9e: {  	v12 =	vld [tilespmem:s17+$0x1000];
	v10 =	vmax.f32 v10, v6  }
0x9f: {  	v13 =	vld [tilespmem:s17+$0x1080];
	v10 =	vmax.f32 v10, v7  }
0xa0: {  	v14 =	vld [tilespmem:s17+$0x1100];
	v10 =	vmax.f32 v10, v8  }
0xa1: {  	v15 =	vld [tilespmem:s17+$0x1180];
	v10 =	vmax.f32 v10, v9  }
0xa2: {  	v16 =	vld [tilespmem:s17+$0x1200];
	v10 =	vmax.f32 v10, v11  }
0xa3: {  	v17 =	vld [tilespmem:s17+$0x1280];
	v10 =	vmax.f32 v10, v12  }
0xa4: {  	v18 =	vld [tilespmem:s17+$0x1300];
	v10 =	vmax.f32 v10, v13  }
0xa5: {  	v19 =	vld [tilespmem:s17+$0x1380];
	v10 =	vmax.f32 v10, v14  }
0xa6: {  	v10 =	vmax.f32 v10, v15  }
0xa7: {  	v10 =	vmax.f32 v10, v16  }
0xa8: {  	v10 =	vmax.f32 v10, v17  }
0xa9: {  	v10 =	vmax.f32 v10, v18  }
0xaa: {  	v10 =	vmax.f32 v10, v19  }
0xab: {  	v3 =	vsub.f32 v3, v10;
	v4 =	vsub.f32 v4, v10  }
0xac: {  	v5 =	vsub.f32 v5, v10;
	v6 =	vsub.f32 v6, v10  }
0xad: {  	v7 =	vsub.f32 v7, v10;
	v3 =	vmul.f32 $1.442695020e+00, v3;
	v4 =	vmul.f32 $1.442695020e+00, v4  }
0xae: {  	v8 =	vsub.f32 v8, v10;
	v5 =	vmul.f32 $1.442695020e+00, v5;
	v6 =	vmul.f32 $1.442695020e+00, v6  }
0xaf: {  	v9 =	vsub.f32 v9, v10;
	v7 =	vmul.f32 $1.442695020e+00, v7;
	(erf) = vpow2.f32 v3  }
0xb0: {  	v3 =	vmul.f32 $1.442695020e+00, v8;
	v8 =	vsub.f32 v11, v10;
	(erf) = vpow2.f32 v4  }
0xb1: {  	v11 =	vsub.f32 v13, v10;
	v4 =	vmul.f32 $1.442695020e+00, v9;
	v9 =	vsub.f32 v12, v10  }
0xb2: {  	v12 =	vsub.f32 v14, v10;
	v8 =	vmul.f32 $1.442695020e+00, v8;
	(erf) = vpow2.f32 v5  }
0xb3: {  	v5 =	vmul.f32 $1.442695020e+00, v9;
	v9 =	vmul.f32 $1.442695020e+00, v11;
	v11 =	vsub.f32 v15, v10  }
0xb4: {  	v13 =	vsub.f32 v16, v10;
	v12 =	vmul.f32 $1.442695020e+00, v12;
	(erf) = vpow2.f32 v6  }
0xb5: {  	v15 =	vsub.f32 v18, v10;
	v6 =	vmul.f32 $1.442695020e+00, v11;
	v11 =	vsub.f32 v17, v10  }
0xb6: {  	v13 =	vmul.f32 $1.442695020e+00, v13;
	v10 =	vsub.f32 v19, v10;
	(erf) = vpow2.f32 v7  }
0xb7: {  	v7 =	vmul.f32 $1.442695020e+00, v11;
	v11 =	vmul.f32 $1.442695020e+00, v15  }
0xb8: {  	v10 =	vmul.f32 $1.442695020e+00, v10;
	v14 =	vpop (erf);
	(erf) = vpow2.f32 v3  }
0xb9: {  	v3 =	vpop (erf)  }
0xba: {  	v15 =	vadd.f32 v3, v14;
	(erf) = vpow2.f32 v4  }
0xbb: {  	v4 =	vpop (erf)  }
0xbc: {  	v15 =	vadd.f32 v15, v4;
	(erf) = vpow2.f32 v8  }
0xbd: {  	v8 =	vpop (erf)  }
0xbe: {  	v15 =	vadd.f32 v15, v8;
	(erf) = vpow2.f32 v5  }
0xbf: {  	v5 =	vpop (erf)  }
0xc0: {  	v15 =	vadd.f32 v15, v5;
	(erf) = vpow2.f32 v9  }
0xc1: {  	v9 =	vpop (erf)  }
0xc2: {  	v15 =	vadd.f32 v15, v9;
	(erf) = vpow2.f32 v12  }
0xc3: {  	v12 =	vpop (erf)  }
0xc4: {  	v15 =	vadd.f32 v15, v12;
	(erf) = vpow2.f32 v6  }
0xc5: {  	v6 =	vpop (erf)  }
0xc6: {  	v15 =	vadd.f32 v15, v6;
	(erf) = vpow2.f32 v13  }
0xc7: {  	v13 =	vpop (erf)  }
0xc8: {  	v15 =	vadd.f32 v15, v13;
	(erf) = vpow2.f32 v7  }
0xc9: {  	v7 =	vpop (erf)  }
0xca: {  	v15 =	vadd.f32 v15, v7;
	(erf) = vpow2.f32 v11  }
0xcb: {  	v11 =	vpop (erf)  }
0xcc: {  	v15 =	vadd.f32 v15, v11;
	(erf) = vpow2.f32 v10  }
0xcd: {  	v10 =	vpop (erf)  }
0xce: {  	v15 =	vadd.f32 v15, v10  }
0xcf: {  	v16 =	vpop (erf)  }
0xd0: {  	v15 =	vadd.f32 v15, v16  }
0xd1: {  	v17 =	vpop (erf)  }
0xd2: {  	v15 =	vadd.f32 v15, v17  }
0xd3: {  	v18 =	vpop (erf)  }
0xd4: {  	v15 =	vadd.f32 v15, v18  }
0xd5: {  	v19 =	vpop (erf)  }
0xd6: {  	v15 =	vadd.f32 v15, v19;
	_ =	sdelay $0x1  }
0xd7: {  	(erf) = vrcp.f32 v15;
	_ =	sdelay $0x8  }
0xd8: {  	v15 =	vpop (erf)  }
0xd9: {  	v14 =	vmul.f32 v15, v14;
	v20 =	vmul.f32 v15, v3  }
0xda: {  	v21 =	vmul.f32 v15, v4  }
0xdb: {  	v8 =	vmul.f32 v15, v8;
	v3 =	vmax.f32 v14, v20  }
0xdc: {  	v5 =	vmul.f32 v15, v5;
	v3 =	vmax.f32 v3, v21  }
0xdd: {  	v9 =	vmul.f32 v15, v9;
	v3 =	vmax.f32 v3, v8  }
0xde: {  	v12 =	vmul.f32 v15, v12;
	v3 =	vmax.f32 v3, v5  }
0xdf: {  	v6 =	vmul.f32 v15, v6;
	v3 =	vmax.f32 v3, v9  }
0xe0: {  	v13 =	vmul.f32 v15, v13;
	v3 =	vmax.f32 v3, v12  }
0xe1: {  	v7 =	vmul.f32 v15, v7;
	v3 =	vmax.f32 v3, v6  }
0xe2: {  	v11 =	vmul.f32 v15, v11;
	v3 =	vmax.f32 v3, v13  }
0xe3: {  	v10 =	vmul.f32 v15, v10;
	v3 =	vmax.f32 v3, v7  }
0xe4: {  	v16 =	vmul.f32 v15, v16;
	v3 =	vmax.f32 v3, v11  }
0xe5: {  	v17 =	vmul.f32 v15, v17;
	v3 =	vmax.f32 v3, v10  }
0xe6: {  	v18 =	vmul.f32 v15, v18;
	v3 =	vmax.f32 v3, v16  }
0xe7: {  	v15 =	vmul.f32 v15, v19;
	v3 =	vmax.f32 v3, v17  }
0xe8: {  	v3 =	vmax.f32 v3, v18  }
0xe9: {  	v4 =	vmax.f32 v3, v15  }
0xea: {  	vm0 =	veq.f32 v6, v4;
	vm1 =	veq.f32 v13, v4;
	vm2 =	veq.f32 v15, v4  }
0xeb: {  	vm3 =	veq.f32 v12, v4;
	vm4 =	veq.f32 v18, v4;
	v3 =	vsel vm2, $0xF, v1  }
0xec: {  	vm5 =	veq.f32 v17, v4;
	vm2 =	veq.f32 v9, v4;
	v3 =	vsel vm4, $0xE, v3  }
0xed: {  	vm6 =	veq.f32 v16, v4;
	vm4 =	veq.f32 v5, v4;
	v3 =	vsel vm5, $0xD, v3  }
0xee: {  	vm7 =	veq.f32 v10, v4;
	vm5 =	veq.f32 v8, v4;
	v3 =	vsel vm6, $0xC, v3  }
0xef: {  	vm8 =	veq.f32 v11, v4;
	vm6 =	veq.f32 v21, v4;
	v3 =	vsel vm7, $0xB, v3  }
0xf0: {  	vm9 =	veq.f32 v7, v4;
	vm7 =	veq.f32 v20, v4;
	v3 =	vsel vm8, $0xA, v3  }
0xf1: {  	vm8 =	veq.f32 v14, v4;
	v3 =	vsel vm9, $0x9, v3  }
0xf2: {  	v3 =	vsel vm1, $0x8, v3  }
0xf3: {  	v3 =	vsel vm0, $0x7, v3  }
0xf4: {  	v3 =	vsel vm3, $0x6, v3  }
0xf5: {  	v3 =	vsel vm2, $0x5, v3  }
0xf6: {  	v3 =	vsel vm4, $0x4, v3  }
0xf7: {  	v3 =	vsel vm5, $0x3, v3  }
0xf8: {  	v3 =	vsel vm6, $0x2, v3  }
0xf9: {  	v3 =	vsel vm7, $0x1, v3  }
0xfa: {  	v3 =	vsel vm8, $0x0, v3  }
0xfb: {  	vm0 =	veq.s32 v3, $0x0;
	vm1 =	veq.s32 v3, $0x1;
	vm2 =	veq.s32 v3, $0x2  }
0xfc: {  	v14 =	vsel vm0, $0xBF800000, v14;
	v19 =	vsel vm1, $0xBF800000, v20;
	v20 =	vsel vm2, $0xBF800000, v21  }
0xfd: {  	vm0 =	veq.s32 v3, $0x3;
	vm1 =	veq.s32 v3, $0x4;
	v21 =	vmax.f32 v14, v19  }
0xfe: {  	v8 =	vsel vm0, $0xBF800000, v8;
	v22 =	vsel vm1, $0xBF800000, v5;
	v5 =	vmax.f32 v21, v20  }
0xff: {  	vm0 =	veq.s32 v3, $0x5;
	vm1 =	veq.s32 v3, $0x6;
	v5 =	vmax.f32 v5, v8  }
0x100: {  	v9 =	vsel vm0, $0xBF800000, v9;
	v12 =	vsel vm1, $0xBF800000, v12;
	v5 =	vmax.f32 v5, v22  }
0x101: {  	vm0 =	veq.s32 v3, $0x7;
	vm1 =	veq.s32 v3, $0x8;
	v5 =	vmax.f32 v5, v9  }
0x102: {  	v21 =	vsel vm0, $0xBF800000, v6;
	vm0 =	veq.s32 v3, $0x9;
	v5 =	vmax.f32 v5, v12  }
0x103: {  	v13 =	vsel vm1, $0xBF800000, v13;
	vm1 =	veq.s32 v3, $0xA;
	v5 =	vmax.f32 v5, v21  }
0x104: {  	v7 =	vsel vm0, $0xBF800000, v7;
	vm0 =	veq.s32 v3, $0xB;
	v5 =	vmax.f32 v5, v13  }
0x105: {  	v11 =	vsel vm1, $0xBF800000, v11;
	vm1 =	veq.s32 v3, $0xC;
	v5 =	vmax.f32 v5, v7  }
0x106: {  	v10 =	vsel vm0, $0xBF800000, v10;
	vm0 =	veq.s32 v3, $0xD;
	v5 =	vmax.f32 v5, v11  }
0x107: {  	v16 =	vsel vm1, $0xBF800000, v16;
	vm1 =	veq.s32 v3, $0xE;
	v5 =	vmax.f32 v5, v10  }
0x108: {  	v17 =	vsel vm0, $0xBF800000, v17;
	vm0 =	veq.s32 v3, $0xF;
	v5 =	vmax.f32 v5, v16  }
0x109: {  	v18 =	vsel vm1, $0xBF800000, v18;
	v5 =	vmax.f32 v5, v17  }
0x10a: {  	v15 =	vsel vm0, $0xBF800000, v15;
	v5 =	vmax.f32 v5, v18  }
0x10b: {  	v6 =	vor.u32 s14, v0;
	v23 =	vmax.f32 v5, v15;
	v5 =	vor.u32 s14, v2  }
0x10c: {  	vm0 =	veq.f32 v10, v23;
	vm1 =	veq.f32 v18, v23;
	v10 =	vadd.f32 v23, v4  }
0x10d: {  	vm4 =	veq.f32 v9, v23;
	vm5 =	veq.f32 v12, v23;
	vm2 =	veq.f32 v15, v23  }
0x10e: {  	vm6 =	veq.f32 v11, v23;
	v9 =	vsel vm2, $0xF, v1;
	(erf) = vrcp.f32 v10  }
0x10f: {  	vm7 =	veq.f32 v7, v23;
	vm2 =	veq.f32 v17, v23;
	v7 =	vsel vm1, $0xE, v9  }
0x110: {  	vm8 =	veq.f32 v13, v23;
	vm1 =	veq.f32 v16, v23;
	v7 =	vsel vm2, $0xD, v7  }
0x111: {  	vm9 =	veq.f32 v22, v23;
	vm10 =	veq.f32 v21, v23;
	v7 =	vsel vm1, $0xC, v7  }
0x112: {  	vm3 =	veq.f32 v8, v23;
	vm1 =	veq.f32 v20, v23;
	v7 =	vsel vm0, $0xB, v7  }
0x113: {  	vm2 =	veq.f32 v19, v23;
	vm0 =	veq.f32 v14, v23;
	v7 =	vsel vm6, $0xA, v7  }
0x114: {  	v7 =	vsel vm7, $0x9, v7  }
.Ltmp0:
0x115: {  	v7 =	vsel vm8, $0x8, v7;
	(pc) =	sbr.rel @p0 .LBB2_2-.Ltmp0, $4  }
0x116: {  	v7 =	vsel vm10, $0x7, v7  }
0x117: {  	v7 =	vsel vm5, $0x6, v7;
	v8 =	vpop (erf)  }
0x118: {  	v9 =	vsel vm4, $0x5, v7;
	v7 =	vmul.f32 v8, v4;
	v4 =	vmul.f32 v8, v23  }
0x119: {  	v8 =	vsel vm9, $0x4, v9  }
0x11a: {  	_ =	sdelay $0x2  }
0x11b: {  	v8 =	vsel vm3, $0x3, v8  }
0x11c: {  	[tilespmem:v6+s8+$0x0] =	vst.idx.msk $0xffff, v7;
	v62 =	vsel vm1, $0x2, v8  }
0x11d: {  	[tilespmem:v5+s8+$0x0] =	vst.idx.msk $0xffff, v4;
	v63 =	vsel vm2, $0x1, v62  }
0x11e: {  	[tilespmem:v6+s9+$0x0] =	vst.idx.msk $0xffff, v3;
	v3 =	vsel vm0, $0x0, v63  }
0x11f: {  	[tilespmem:v5+s9+$0x0] =	vst.idx.msk $0xffff, v3  }
0x120: {  	[hbm4b:s4+s10] =	stream.strided.scatter [tilespmem:s8], [sflag:$0x1], $0x400, s11, s10, $0x38;
	[tilespmem:$0x2800] =	vst v63  }
0x121: {  	s12 =	sadd.s32 $0x1, s12;
	_ =	swait.ge [sflag:s7], $0x400  }
0x122: {  	p0 =	sne.s32 s12, s6;
	[sflag:s7] =	ssyncset.done $0x0  }
.Ltmp1:
0x123: {  	[sflag:s7] =	ssyncadd.s32 $0xFFFFFC00;
	(pc) =	sbr.rel @p0 .LBB2_1-.Ltmp1, $4  }
0x124: {  	[hbm4b:s5+s10] =	stream.strided.scatter [tilespmem:s9], [sflag:$0x1], $0x400, s11, s10, $0x38;
	[tilespmem:$0x2800] =	vst v63  }
0x125: {  	_ =	swait.ge [sflag:s7], $0x400  }
0x126: {  	[sflag:s7] =	ssyncset.done $0x0  }
0x127: {  	[sflag:s7] =	ssyncadd.s32 $0xFFFFFC00  }
0x128: {  	_ =	sfence.sel $0x180000  }
0x129: {  	[bflag:$0x0] =	sbarrier.arrive $0xFFFF  }
0x12a: {  	p0 =	sne.s32 s0, $0x0;
	_ =	strace $0x90000047  }
0x12b: {  	s0 =	sadd.s32 @!p0 $0x100000, s1;
	[bflag:$0x2] =	sbarrier.arrive $0xFFFF  }
0x12c: {  	[sflag:s0] =	ssyncadd.tile.s32 @!p0 $0x1;
	_ =	shalt  }
.Lfunc_end2:
_tile_overlayer_lowered:
.L_overlay_start_2:
0x12d: {  	(tag) =	ssettag $0x2  }
0x12e: {  	s0 =	rddreg [dreg:$0x0];
	s2 =	stileid.u32  }
0x12f: {  	s1 =	rddreg [dreg:$0x1];
	p0 =	sne.s32 s2, $0x0  }
0x130: {  	s3 =	rddreg [dreg:$0x2];
	[bflag:$0x3] =	sbarrier.arrive $0xFFFF;
	s2 =	simm.s32 @!p0 $0x1C01  }
0x131: {  	[timem:s3], [sflag:s2] =	dma.local @!p0 [hbm:s0], s1  }
0x132: {  	s0 =	simm.s32 @!p0 $0x1  }
0x133: {  	_ =	swait.ge @!p0 [sflag:s0], s1  }
0x134: {  	s1 =	ssub.s32 @!p0 $0x0, s1;
	[sflag:s0] =	ssyncset.done @!p0 $0x0  }
0x135: {  	[sflag:s0] =	ssyncadd.s32 @!p0 s1  }
0x136: {  	[bflag:$0x3] =	sbarrier.arrive $0xFFFF  }
0x137: {  	_ =	shalt  }

</sc_bundles>
